<compile_context>
chip_gen: v7x
topology: tpu7x:2x2x1
jax: 0.10.2.dev20260603
libtpu: 0.0.44.dev20260713+nightly
codegen_flags: <defaults>
</compile_context>

<pallas_src>
import jax
import jax.numpy as jnp
from jax import lax
from jax.experimental import pallas as pl
from jax.experimental.pallas import tpu as pltpu
from jax.experimental.pallas import tpu_sc as plsc

N_SAMPLES = 1024
N_SITES = 256
D_MF = 256
D_HID = 64
D = D_MF + D_HID

NC = 2
NS = 16
NW = NC * NS
SPW = N_SAMPLES // NW
L = 16
CHUNK = 128
CPS = N_SITES // CHUNK
NCHUNKS = SPW * CPS
TPS = N_SITES // L

BS = 16


_GATHER_DNUMS = lax.GatherDimensionNumbers(
    offset_dims=(), collapsed_slice_dims=(0,), start_index_map=(0,)
)


def _gather16(s, idx):
    return lax.gather(
        s,
        idx[:, None],
        _GATHER_DNUMS,
        slice_sizes=(1,),
        mode=lax.GatherScatterMode.PROMISE_IN_BOUNDS,
    )


def _cumsum16(v, lanes):
    s = v
    for k in (1, 2, 4, 8):
        src = lanes - k
        shifted = _gather16(s, jnp.maximum(src, 0))
        s = s + jnp.where(src >= 0, shifted, 0)
    return s


def _sc_body(x_hbm, t0_hbm, t1_hbm, out_hbm, x_v, idx_v, tab0_v, tab1_v,
             sem0, sem1):
    wid = lax.axis_index("s") * NC + lax.axis_index("c")
    base_s = wid * SPW

    pltpu.sync_copy(t0_hbm, tab0_v)
    pltpu.sync_copy(t1_hbm, tab1_v)
    pltpu.sync_copy(x_hbm.at[pl.ds(base_s, SPW)], x_v)

    iota16 = lax.iota(jnp.int32, L)
    lane15 = jnp.full((L,), 15, jnp.int32)
    zeros16 = jnp.zeros((L,), jnp.int32)

    tabs = (tab0_v, tab1_v)
    sems = (sem0, sem1)

    def fire(j):
        h = lax.rem(j, CPS)
        for c in range(2):
            pltpu.async_copy(
                tabs[c].at[pl.ds(h * CHUNK, CHUNK)],
                out_hbm.at[idx_v.at[j], pl.ds(c * 128, 128)],
                sems[c],
            )

    def per_sample(s_local, _):
        def count_body(t, c):
            v = x_v[s_local, pl.ds(t * L, L)]
            incl = _cumsum16(v, iota16)
            return c + _gather16(incl, lane15)

        c_total = lax.fori_loop(0, TPS, count_body, zeros16)
        out_base = (base_s + s_local) * N_SITES

        def rank_body(t, ones_carry):
            v = x_v[s_local, pl.ds(t * L, L)]
            incl = _cumsum16(v, iota16)
            excl = incl - v
            ones_before = ones_carry + excl
            pos = t * L + iota16
            rank = jnp.where(v == 1, ones_before, c_total + pos - ones_before)
            j = s_local * CPS + t // (TPS // CPS)
            col = (t % (TPS // CPS)) * L
            idx_v[j, pl.ds(col, L)] = out_base + rank
            return ones_carry + _gather16(incl, lane15)

        lax.fori_loop(0, TPS, rank_body, zeros16)

        def per_chunk(h, _):
            fire(s_local * CPS + h)
            return 0

        lax.fori_loop(0, CPS, per_chunk, 0)
        return 0

    lax.fori_loop(0, SPW, per_sample, 0)

    def drain(j, _):
        for c in range(2):
            pltpu.make_async_copy(
                tabs[c].at[pl.ds(0, CHUNK)],
                out_hbm.at[idx_v.at[0], pl.ds(c * 128, 128)],
                sems[c],
            ).wait()
        return 0

    lax.fori_loop(0, NCHUNKS, drain, 0)


_sc_call = pl.kernel(
    _sc_body,
    out_type=jax.ShapeDtypeStruct((N_SAMPLES * N_SITES, D_MF), jnp.float32),
    mesh=plsc.VectorSubcoreMesh(core_axis_name="c", subcore_axis_name="s"),
    scratch_types=[
        pltpu.VMEM((SPW, N_SITES), jnp.int32),
        pltpu.VMEM((NCHUNKS, CHUNK), jnp.int32),
        pltpu.VMEM((N_SITES, 128), jnp.float32),
        pltpu.VMEM((N_SITES, 128), jnp.float32),
        pltpu.SemaphoreType.DMA,
        pltpu.SemaphoreType.DMA,
    ],
)


def _tc_body(x_ref, hidT_ref, r_ref, out_ref):
    xf = x_ref[...].astype(jnp.float32)
    k = lax.broadcasted_iota(jnp.int32, (N_SITES, N_SITES), 0)
    i = lax.broadcasted_iota(jnp.int32, (N_SITES, N_SITES), 1)
    upper = (k < i).astype(jnp.float32)
    ones_before = jax.lax.dot_general(
        xf, upper, (((1,), (0,)), ((), ())),
        preferred_element_type=jnp.float32,
    )
    c_total = jnp.sum(xf, axis=1, keepdims=True)
    pos = lax.broadcasted_iota(jnp.int32, (BS, N_SITES), 1).astype(jnp.float32)
    rank = jnp.where(xf > 0.5, ones_before, c_total + pos - ones_before)
    rank_i = rank.astype(jnp.int32)
    j_iota = lax.broadcasted_iota(jnp.int32, (BS, N_SITES, N_SITES), 2)
    onehot = (rank_i[:, :, None] == j_iota).astype(jnp.float32)
    ph = jax.lax.dot_general(
        hidT_ref[...], onehot, (((1,), (1,)), ((), ())),
        preferred_element_type=jnp.float32,
    )
    r3 = r_ref[...].reshape(BS, N_SITES, D_MF)
    out_ref[:, 0:D_MF, :] = jnp.swapaxes(r3, 1, 2)
    out_ref[:, D_MF:D, :] = jnp.transpose(ph, (1, 0, 2))


_tc_call = pl.pallas_call(
    _tc_body,
    grid=(N_SAMPLES // BS,),
    in_specs=[
        pl.BlockSpec((BS, N_SITES), lambda g: (g, 0)),
        pl.BlockSpec((D_HID, N_SITES), lambda g: (0, 0)),
        pl.BlockSpec((BS * N_SITES, D_MF), lambda g: (g, 0)),
    ],
    out_specs=pl.BlockSpec((BS, D, N_SITES), lambda g: (g, 0, 0)),
    out_shape=jax.ShapeDtypeStruct((N_SAMPLES, D, N_SITES), jnp.float32),
)


@jax.jit
def kernel(x, orbitals_mf, orbitals_hf):
    xi = x.astype(jnp.int32)
    mf = orbitals_mf[:N_SITES]
    hidT = orbitals_hf[:N_SITES].T
    r = _sc_call(xi, mf[:, 0:128], mf[:, 128:256])
    p = _tc_call(xi, hidT, r)
    return jnp.swapaxes(p, 1, 2)

# --- scband reference (transcript-rebuilt; emitter-appended) ---
"""Pipeline reference for scband-orbitals-88227218194720 (READ-ONLY COPY).

The authoritative reference and input builder live on the scoring server;
editing this copy changes nothing except your own understanding.
"""

import jax, jax.numpy as jnp
import numpy as np

N_SAMPLES = 1024
LX = 16
LY = 16
N_SITES = LX * LY  # 256
N_ELECS = 256
N_HID = 64
DTYPE = jnp.float32


def setup_inputs(seed: int = 0) -> dict:
    key = jax.random.key(seed)
    k1, k2, k3 = jax.random.split(key, 3)
    # spin configuration; randint in {0,1} per input_specs (x==1 marks up-spin sites)
    x = jax.random.randint(k1, (N_SAMPLES, N_SITES), 0, 2).astype(jnp.int32)
    # learned params: MFinit='random' -> normal(0.1) init for both orbital sets
    orbitals_mf = 0.1 * jax.random.normal(k2, (2 * LX * LY, N_ELECS), dtype=DTYPE)
    orbitals_hf = 0.1 * jax.random.normal(k3, (2 * LX * LY, N_HID), dtype=DTYPE)
    return {"x": x, "orbitals_mf": orbitals_mf, "orbitals_hf": orbitals_hf}


def reference(x, orbitals_mf, orbitals_hf):
    n_samples, N_sites = x.shape
    orbitals_full = jnp.concatenate((orbitals_mf, orbitals_hf), axis=1)
    spin_up = (x == 1).astype(orbitals_full.dtype)
    spin_dn = (x == -1).astype(orbitals_full.dtype)
    x_flat = jnp.concatenate([spin_up, spin_dn], axis=1)
    mask = x_flat.astype(bool)
    _, idx = jax.lax.top_k(mask, k=N_sites)
    orbitals_selected = jax.vmap(lambda i: orbitals_full[i, :])(idx)
    return orbitals_selected

if __name__ == "__main__":
    import jax
    _d = setup_inputs()
    print(jax.jit(kernel)(*tuple(_d.values())))

</pallas_src>

<mosaic_0001>
#map = affine_map<(d0, d1) -> (0, 0)>
module attributes {stable_mosaic.version = 14 : i64} {
  func.func @_sc_body(%arg0: i32, %arg1: i32, %arg2: memref<1024x256xi32, #tpu.memory_space<hbm>>, %arg3: memref<256x128xf32, #tpu.memory_space<hbm>>, %arg4: memref<256x128xf32, #tpu.memory_space<hbm>>, %arg5: memref<262144x256xf32, #tpu.memory_space<hbm>>, %arg6: memref<32x256xi32, #tpu.memory_space<vmem>>, %arg7: memref<64x128xi32, #tpu.memory_space<vmem>>, %arg8: memref<256x128xf32, #tpu.memory_space<vmem>>, %arg9: memref<256x128xf32, #tpu.memory_space<vmem>>, %arg10: memref<!tpu.dma_semaphore, #tpu.memory_space<semaphore_mem>>, %arg11: memref<!tpu.dma_semaphore, #tpu.memory_space<semaphore_mem>>) attributes {dimension_semantics = [#tpu.dimension_semantics<core_parallel>, #tpu.dimension_semantics<subcore_parallel>], iteration_bounds = array<i64: 2, 16>, scalar_prefetch = 0 : i64, scratch_operands = 6 : i64, tpu.core_type = #tpu.core_type<sc_vector_subcore>, window_params = [{transform_indices = #map}, {transform_indices = #map}, {transform_indices = #map}, {transform_indices = #map}]} {
    %mul3A = arith.constant 2 : i32
    %mul3A_0 = arith.muli %arg1, %mul3A : i32
    %add3A = arith.addi %mul3A_0, %arg0 : i32
    %mul3A_1 = arith.constant 32 : i32
    %mul3A_2 = arith.muli %add3A, %mul3A_1 : i32
    "tpu.region"() ({
      %run_scoped3A = tpu.sem_alloc : memref<!tpu.dma_semaphore, #tpu.memory_space<semaphore_mem>>
      tpu.enqueue_dma source(%arg3 : memref<256x128xf32, #tpu.memory_space<hbm>>) target(%arg8 : memref<256x128xf32, #tpu.memory_space<vmem>>) target_semaphore(%run_scoped3A : memref<!tpu.dma_semaphore, #tpu.memory_space<semaphore_mem>>)
      tpu.wait_dma2 semaphore(%run_scoped3A : memref<!tpu.dma_semaphore, #tpu.memory_space<semaphore_mem>>) src(%arg3 : memref<256x128xf32, #tpu.memory_space<hbm>>) dst(%arg8 : memref<256x128xf32, #tpu.memory_space<vmem>>)
      tpu.yield
    }) : () -> ()
    "tpu.region"() ({
      %run_scoped3A = tpu.sem_alloc : memref<!tpu.dma_semaphore, #tpu.memory_space<semaphore_mem>>
      tpu.enqueue_dma source(%arg4 : memref<256x128xf32, #tpu.memory_space<hbm>>) target(%arg9 : memref<256x128xf32, #tpu.memory_space<vmem>>) target_semaphore(%run_scoped3A : memref<!tpu.dma_semaphore, #tpu.memory_space<semaphore_mem>>)
      tpu.wait_dma2 semaphore(%run_scoped3A : memref<!tpu.dma_semaphore, #tpu.memory_space<semaphore_mem>>) src(%arg4 : memref<256x128xf32, #tpu.memory_space<hbm>>) dst(%arg9 : memref<256x128xf32, #tpu.memory_space<vmem>>)
      tpu.yield
    }) : () -> ()
    "tpu.region"() ({
      %run_scoped3A = tpu.sem_alloc : memref<!tpu.dma_semaphore, #tpu.memory_space<semaphore_mem>>
      %dma_start3A = arith.constant 0 : i32
      %dma_start3A_19 = tpu.memref_slice %arg2[%mul3A_2, %dma_start3A] : memref<1024x256xi32, #tpu.memory_space<hbm>> -> memref<32x256xi32, #tpu.memory_space<hbm>>
      %dma_start3A_20 = arith.constant 0 : i32
      %dma_start3A_21 = tpu.memref_slice %arg2[%mul3A_2, %dma_start3A_20] : memref<1024x256xi32, #tpu.memory_space<hbm>> -> memref<32x256xi32, #tpu.memory_space<hbm>>
      tpu.enqueue_dma source(%dma_start3A_21 : memref<32x256xi32, #tpu.memory_space<hbm>>) target(%arg6 : memref<32x256xi32, #tpu.memory_space<vmem>>) target_semaphore(%run_scoped3A : memref<!tpu.dma_semaphore, #tpu.memory_space<semaphore_mem>>)
      %dma_wait3A = arith.constant 0 : i32
      %dma_wait3A_22 = tpu.memref_slice %arg2[%mul3A_2, %dma_wait3A] : memref<1024x256xi32, #tpu.memory_space<hbm>> -> memref<32x256xi32, #tpu.memory_space<hbm>>
      %dma_wait3A_23 = arith.constant 0 : i32
      %dma_wait3A_24 = tpu.memref_slice %arg2[%mul3A_2, %dma_wait3A_23] : memref<1024x256xi32, #tpu.memory_space<hbm>> -> memref<32x256xi32, #tpu.memory_space<hbm>>
      tpu.wait_dma2 semaphore(%run_scoped3A : memref<!tpu.dma_semaphore, #tpu.memory_space<semaphore_mem>>) src(%dma_wait3A_24 : memref<32x256xi32, #tpu.memory_space<hbm>>) dst(%arg6 : memref<32x256xi32, #tpu.memory_space<vmem>>)
      tpu.yield
    }) : () -> ()
    %iota3A = tpu.iota {dimensions = array<i32: 0>} : vector<16xi32>
    %broadcast_in_dim3A = arith.constant 15 : i32
    %broadcast_in_dim3A_3 = vector.broadcast %broadcast_in_dim3A : i32 to vector<16xi32>
    %broadcast_in_dim3A_4 = arith.constant 0 : i32
    %broadcast_in_dim3A_5 = vector.broadcast %broadcast_in_dim3A_4 : i32 to vector<16xi32>
    %scan3A = arith.constant 0 : i32
    %scan3A_6 = arith.constant 0 : i32
    %scan3A_7 = arith.constant 32 : i32
    %scan3A_8 = arith.addi %scan3A_6, %scan3A_7 : i32
    %scan3A_9 = arith.constant 1 : i32
    %scan3A_10 = scf.for %scan3A_19 = %scan3A_6 to %scan3A_8 step %scan3A_9 iter_args(%scan3A_20 = %scan3A) -> (i32)  : i32 {
      %scan3A_21 = arith.constant 0 : i32
      %scan3A_22 = arith.constant 16 : i32
      %scan3A_23 = arith.addi %scan3A_21, %scan3A_22 : i32
      %scan3A_24 = arith.constant 1 : i32
      %scan3A_25 = scf.for %scan3A_44 = %scan3A_21 to %scan3A_23 step %scan3A_24 iter_args(%scan3A_45 = %broadcast_in_dim3A_5) -> (vector<16xi32>)  : i32 {
        %mul3A_46 = arith.constant 16 : i32
        %mul3A_47 = arith.muli %scan3A_44, %mul3A_46 : i32
        %get3A = arith.index_cast %scan3A_19 : i32 to index
        %get3A_48 = arith.index_cast %mul3A_47 : i32 to index
        %get3A_49 = tpu.vector_load %arg6[%get3A, %get3A_48] {strides = array<i32>} : memref<32x256xi32, #tpu.memory_space<vmem>>, vector<1x16xi32>,
        %get3A_50 = vector.shape_cast %get3A_49 : vector<1x16xi32> to vector<16xi32>
        %sub3A = arith.constant 1 : i32
        %sub3A_51 = vector.broadcast %sub3A : i32 to vector<16xi32>
        %sub3A_52 = arith.subi %iota3A, %sub3A_51 : vector<16xi32>
        %max3A = arith.constant 0 : i32
        %max3A_53 = vector.broadcast %max3A : i32 to vector<16xi32>
        %max3A_54 = arith.maxsi %sub3A_52, %max3A_53 : vector<16xi32>
        %broadcast_in_dim3A_55 = vector.shape_cast %max3A_54 : vector<16xi32> to vector<16x1xi32>
        %gather3A = vector.shape_cast %broadcast_in_dim3A_55 : vector<16x1xi32> to vector<16xi32>
        %gather3A_56 = tpu.dynamic_gather %get3A_50[%gather3A] in [0] : vector<16xi32>, vector<16xi32> -> vector<16xi32>
        %ge3A = arith.constant 0 : i32
        %ge3A_57 = vector.broadcast %ge3A : i32 to vector<16xi32>
        %ge3A_58 = arith.cmpi sge, %sub3A_52, %ge3A_57 : vector<16xi32>
        %jit3A = arith.constant 0 : i32
        %broadcast_in_dim3A_59 = vector.broadcast %jit3A : i32 to vector<16xi32>
        %select_n3A = arith.select %ge3A_58, %gather3A_56, %broadcast_in_dim3A_59 : vector<16xi1>, vector<16xi32>
        %add3A_60 = arith.addi %get3A_50, %select_n3A : vector<16xi32>
        %sub3A_61 = arith.constant 2 : i32
        %sub3A_62 = vector.broadcast %sub3A_61 : i32 to vector<16xi32>
        %sub3A_63 = arith.subi %iota3A, %sub3A_62 : vector<16xi32>
        %max3A_64 = arith.constant 0 : i32
        %max3A_65 = vector.broadcast %max3A_64 : i32 to vector<16xi32>
        %max3A_66 = arith.maxsi %sub3A_63, %max3A_65 : vector<16xi32>
        %broadcast_in_dim3A_67 = vector.shape_cast %max3A_66 : vector<16xi32> to vector<16x1xi32>
        %gather3A_68 = vector.shape_cast %broadcast_in_dim3A_67 : vector<16x1xi32> to vector<16xi32>
        %gather3A_69 = tpu.dynamic_gather %add3A_60[%gather3A_68] in [0] : vector<16xi32>, vector<16xi32> -> vector<16xi32>
        %ge3A_70 = arith.constant 0 : i32
        %ge3A_71 = vector.broadcast %ge3A_70 : i32 to vector<16xi32>
        %ge3A_72 = arith.cmpi sge, %sub3A_63, %ge3A_71 : vector<16xi32>
        %jit3A_73 = arith.constant 0 : i32
        %broadcast_in_dim3A_74 = vector.broadcast %jit3A_73 : i32 to vector<16xi32>
        %select_n3A_75 = arith.select %ge3A_72, %gather3A_69, %broadcast_in_dim3A_74 : vector<16xi1>, vector<16xi32>
        %add3A_76 = arith.addi %add3A_60, %select_n3A_75 : vector<16xi32>
        %sub3A_77 = arith.constant 4 : i32
        %sub3A_78 = vector.broadcast %sub3A_77 : i32 to vector<16xi32>
        %sub3A_79 = arith.subi %iota3A, %sub3A_78 : vector<16xi32>
        %max3A_80 = arith.constant 0 : i32
        %max3A_81 = vector.broadcast %max3A_80 : i32 to vector<16xi32>
        %max3A_82 = arith.maxsi %sub3A_79, %max3A_81 : vector<16xi32>
        %broadcast_in_dim3A_83 = vector.shape_cast %max3A_82 : vector<16xi32> to vector<16x1xi32>
        %gather3A_84 = vector.shape_cast %broadcast_in_dim3A_83 : vector<16x1xi32> to vector<16xi32>
        %gather3A_85 = tpu.dynamic_gather %add3A_76[%gather3A_84] in [0] : vector<16xi32>, vector<16xi32> -> vector<16xi32>
        %ge3A_86 = arith.constant 0 : i32
        %ge3A_87 = vector.broadcast %ge3A_86 : i32 to vector<16xi32>
        %ge3A_88 = arith.cmpi sge, %sub3A_79, %ge3A_87 : vector<16xi32>
        %jit3A_89 = arith.constant 0 : i32
        %broadcast_in_dim3A_90 = vector.broadcast %jit3A_89 : i32 to vector<16xi32>
        %select_n3A_91 = arith.select %ge3A_88, %gather3A_85, %broadcast_in_dim3A_90 : vector<16xi1>, vector<16xi32>
        %add3A_92 = arith.addi %add3A_76, %select_n3A_91 : vector<16xi32>
        %sub3A_93 = arith.constant 8 : i32
        %sub3A_94 = vector.broadcast %sub3A_93 : i32 to vector<16xi32>
        %sub3A_95 = arith.subi %iota3A, %sub3A_94 : vector<16xi32>
        %max3A_96 = arith.constant 0 : i32
        %max3A_97 = vector.broadcast %max3A_96 : i32 to vector<16xi32>
        %max3A_98 = arith.maxsi %sub3A_95, %max3A_97 : vector<16xi32>
        %broadcast_in_dim3A_99 = vector.shape_cast %max3A_98 : vector<16xi32> to vector<16x1xi32>
        %gather3A_100 = vector.shape_cast %broadcast_in_dim3A_99 : vector<16x1xi32> to vector<16xi32>
        %gather3A_101 = tpu.dynamic_gather %add3A_92[%gather3A_100] in [0] : vector<16xi32>, vector<16xi32> -> vector<16xi32>
        %ge3A_102 = arith.constant 0 : i32
        %ge3A_103 = vector.broadcast %ge3A_102 : i32 to vector<16xi32>
        %ge3A_104 = arith.cmpi sge, %sub3A_95, %ge3A_103 : vector<16xi32>
        %jit3A_105 = arith.constant 0 : i32
        %broadcast_in_dim3A_106 = vector.broadcast %jit3A_105 : i32 to vector<16xi32>
        %select_n3A_107 = arith.select %ge3A_104, %gather3A_101, %broadcast_in_dim3A_106 : vector<16xi1>, vector<16xi32>
        %add3A_108 = arith.addi %add3A_92, %select_n3A_107 : vector<16xi32>
        %broadcast_in_dim3A_109 = vector.shape_cast %broadcast_in_dim3A_3 : vector<16xi32> to vector<16x1xi32>
        %gather3A_110 = vector.shape_cast %broadcast_in_dim3A_109 : vector<16x1xi32> to vector<16xi32>
        %gather3A_111 = tpu.dynamic_gather %add3A_108[%gather3A_110] in [0] : vector<16xi32>, vector<16xi32> -> vector<16xi32>
        %add3A_112 = arith.addi %scan3A_45, %gather3A_111 : vector<16xi32>
        scf.yield %add3A_112 : vector<16xi32>
      }
      %scan3A_26 = arith.constant 16 : i32
      %add3A_27 = arith.addi %mul3A_2, %scan3A_19 : i32
      %mul3A_28 = arith.constant 256 : i32
      %mul3A_29 = arith.muli %add3A_27, %mul3A_28 : i32
      %scan3A_30 = arith.constant 0 : i32
      %scan3A_31 = arith.constant 16 : i32
      %scan3A_32 = arith.addi %scan3A_30, %scan3A_31 : i32
      %scan3A_33 = arith.constant 1 : i32
      %scan3A_34 = scf.for %scan3A_44 = %scan3A_30 to %scan3A_32 step %scan3A_33 iter_args(%scan3A_45 = %broadcast_in_dim3A_5) -> (vector<16xi32>)  : i32 {
        %mul3A_46 = arith.constant 16 : i32
        %mul3A_47 = arith.muli %scan3A_44, %mul3A_46 : i32
        %get3A = arith.index_cast %scan3A_19 : i32 to index
        %get3A_48 = arith.index_cast %mul3A_47 : i32 to index
        %get3A_49 = tpu.vector_load %arg6[%get3A, %get3A_48] {strides = array<i32>} : memref<32x256xi32, #tpu.memory_space<vmem>>, vector<1x16xi32>,
        %get3A_50 = vector.shape_cast %get3A_49 : vector<1x16xi32> to vector<16xi32>
        %sub3A = arith.constant 1 : i32
        %sub3A_51 = vector.broadcast %sub3A : i32 to vector<16xi32>
        %sub3A_52 = arith.subi %iota3A, %sub3A_51 : vector<16xi32>
        %max3A = arith.constant 0 : i32
        %max3A_53 = vector.broadcast %max3A : i32 to vector<16xi32>
        %max3A_54 = arith.maxsi %sub3A_52, %max3A_53 : vector<16xi32>
        %broadcast_in_dim3A_55 = vector.shape_cast %max3A_54 : vector<16xi32> to vector<16x1xi32>
        %gather3A = vector.shape_cast %broadcast_in_dim3A_55 : vector<16x1xi32> to vector<16xi32>
        %gather3A_56 = tpu.dynamic_gather %get3A_50[%gather3A] in [0] : vector<16xi32>, vector<16xi32> -> vector<16xi32>
        %ge3A = arith.constant 0 : i32
        %ge3A_57 = vector.broadcast %ge3A : i32 to vector<16xi32>
        %ge3A_58 = arith.cmpi sge, %sub3A_52, %ge3A_57 : vector<16xi32>
        %jit3A = arith.constant 0 : i32
        %broadcast_in_dim3A_59 = vector.broadcast %jit3A : i32 to vector<16xi32>
        %select_n3A = arith.select %ge3A_58, %gather3A_56, %broadcast_in_dim3A_59 : vector<16xi1>, vector<16xi32>
        %add3A_60 = arith.addi %get3A_50, %select_n3A : vector<16xi32>
        %sub3A_61 = arith.constant 2 : i32
        %sub3A_62 = vector.broadcast %sub3A_61 : i32 to vector<16xi32>
        %sub3A_63 = arith.subi %iota3A, %sub3A_62 : vector<16xi32>
        %max3A_64 = arith.constant 0 : i32
        %max3A_65 = vector.broadcast %max3A_64 : i32 to vector<16xi32>
        %max3A_66 = arith.maxsi %sub3A_63, %max3A_65 : vector<16xi32>
        %broadcast_in_dim3A_67 = vector.shape_cast %max3A_66 : vector<16xi32> to vector<16x1xi32>
        %gather3A_68 = vector.shape_cast %broadcast_in_dim3A_67 : vector<16x1xi32> to vector<16xi32>
        %gather3A_69 = tpu.dynamic_gather %add3A_60[%gather3A_68] in [0] : vector<16xi32>, vector<16xi32> -> vector<16xi32>
        %ge3A_70 = arith.constant 0 : i32
        %ge3A_71 = vector.broadcast %ge3A_70 : i32 to vector<16xi32>
        %ge3A_72 = arith.cmpi sge, %sub3A_63, %ge3A_71 : vector<16xi32>
        %jit3A_73 = arith.constant 0 : i32
        %broadcast_in_dim3A_74 = vector.broadcast %jit3A_73 : i32 to vector<16xi32>
        %select_n3A_75 = arith.select %ge3A_72, %gather3A_69, %broadcast_in_dim3A_74 : vector<16xi1>, vector<16xi32>
        %add3A_76 = arith.addi %add3A_60, %select_n3A_75 : vector<16xi32>
        %sub3A_77 = arith.constant 4 : i32
        %sub3A_78 = vector.broadcast %sub3A_77 : i32 to vector<16xi32>
        %sub3A_79 = arith.subi %iota3A, %sub3A_78 : vector<16xi32>
        %max3A_80 = arith.constant 0 : i32
        %max3A_81 = vector.broadcast %max3A_80 : i32 to vector<16xi32>
        %max3A_82 = arith.maxsi %sub3A_79, %max3A_81 : vector<16xi32>
        %broadcast_in_dim3A_83 = vector.shape_cast %max3A_82 : vector<16xi32> to vector<16x1xi32>
        %gather3A_84 = vector.shape_cast %broadcast_in_dim3A_83 : vector<16x1xi32> to vector<16xi32>
        %gather3A_85 = tpu.dynamic_gather %add3A_76[%gather3A_84] in [0] : vector<16xi32>, vector<16xi32> -> vector<16xi32>
        %ge3A_86 = arith.constant 0 : i32
        %ge3A_87 = vector.broadcast %ge3A_86 : i32 to vector<16xi32>
        %ge3A_88 = arith.cmpi sge, %sub3A_79, %ge3A_87 : vector<16xi32>
        %jit3A_89 = arith.constant 0 : i32
        %broadcast_in_dim3A_90 = vector.broadcast %jit3A_89 : i32 to vector<16xi32>
        %select_n3A_91 = arith.select %ge3A_88, %gather3A_85, %broadcast_in_dim3A_90 : vector<16xi1>, vector<16xi32>
        %add3A_92 = arith.addi %add3A_76, %select_n3A_91 : vector<16xi32>
        %sub3A_93 = arith.constant 8 : i32
        %sub3A_94 = vector.broadcast %sub3A_93 : i32 to vector<16xi32>
        %sub3A_95 = arith.subi %iota3A, %sub3A_94 : vector<16xi32>
        %max3A_96 = arith.constant 0 : i32
        %max3A_97 = vector.broadcast %max3A_96 : i32 to vector<16xi32>
        %max3A_98 = arith.maxsi %sub3A_95, %max3A_97 : vector<16xi32>
        %broadcast_in_dim3A_99 = vector.shape_cast %max3A_98 : vector<16xi32> to vector<16x1xi32>
        %gather3A_100 = vector.shape_cast %broadcast_in_dim3A_99 : vector<16x1xi32> to vector<16xi32>
        %gather3A_101 = tpu.dynamic_gather %add3A_92[%gather3A_100] in [0] : vector<16xi32>, vector<16xi32> -> vector<16xi32>
        %ge3A_102 = arith.constant 0 : i32
        %ge3A_103 = vector.broadcast %ge3A_102 : i32 to vector<16xi32>
        %ge3A_104 = arith.cmpi sge, %sub3A_95, %ge3A_103 : vector<16xi32>
        %jit3A_105 = arith.constant 0 : i32
        %broadcast_in_dim3A_106 = vector.broadcast %jit3A_105 : i32 to vector<16xi32>
        %select_n3A_107 = arith.select %ge3A_104, %gather3A_101, %broadcast_in_dim3A_106 : vector<16xi1>, vector<16xi32>
        %add3A_108 = arith.addi %add3A_92, %select_n3A_107 : vector<16xi32>
        %sub3A_109 = arith.subi %add3A_108, %get3A_50 : vector<16xi32>
        %add3A_110 = arith.addi %scan3A_45, %sub3A_109 : vector<16xi32>
        %mul3A_111 = arith.constant 16 : i32
        %mul3A_112 = arith.muli %scan3A_44, %mul3A_111 : i32
        %add3A_113 = vector.broadcast %mul3A_112 : i32 to vector<16xi32>
        %add3A_114 = arith.addi %add3A_113, %iota3A : vector<16xi32>
        %eq3A = arith.constant 1 : i32
        %eq3A_115 = vector.broadcast %eq3A : i32 to vector<16xi32>
        %eq3A_116 = arith.cmpi eq, %get3A_50, %eq3A_115 : vector<16xi32>
        %add3A_117 = arith.addi %scan3A_25, %add3A_114 : vector<16xi32>
        %sub3A_118 = arith.subi %add3A_117, %add3A_110 : vector<16xi32>
        %select_n3A_119 = arith.select %eq3A_116, %add3A_110, %sub3A_118 : vector<16xi1>, vector<16xi32>
        %mul3A_120 = arith.constant 2 : i32
        %mul3A_121 = arith.muli %scan3A_19, %mul3A_120 : i32
        %jit3A_122 = arith.constant 8 : i32
        %div3A = arith.divsi %scan3A_44, %jit3A_122 : i32
        %sign3A = arith.constant 0 : i32
        %sign3A_123 = arith.cmpi sgt, %scan3A_44, %sign3A : i32
        %sign3A_124 = arith.extui %sign3A_123 : i1 to i32
        %sign3A_125 = arith.constant 0 : i32
        %sign3A_126 = arith.cmpi slt, %scan3A_44, %sign3A_125 : i32
        %sign3A_127 = arith.extui %sign3A_126 : i1 to i32
        %sign3A_128 = arith.subi %sign3A_124, %sign3A_127 : i32
        %sign3A_129 = arith.constant 0 : i32
        %sign3A_130 = arith.cmpi sgt, %jit3A_122, %sign3A_129 : i32
        %sign3A_131 = arith.extui %sign3A_130 : i1 to i32
        %sign3A_132 = arith.constant 0 : i32
        %sign3A_133 = arith.cmpi slt, %jit3A_122, %sign3A_132 : i32
        %sign3A_134 = arith.extui %sign3A_133 : i1 to i32
        %sign3A_135 = arith.subi %sign3A_131, %sign3A_134 : i32
        %ne3A = arith.cmpi ne, %sign3A_128, %sign3A_135 : i32
        %rem3A = arith.remsi %scan3A_44, %jit3A_122 : i32
        %ne3A_136 = arith.constant 0 : i32
        %ne3A_137 = arith.cmpi ne, %rem3A, %ne3A_136 : i32
        %and3A = arith.andi %ne3A, %ne3A_137 : i1
        %sub3A_138 = arith.constant 1 : i32
        %sub3A_139 = arith.subi %div3A, %sub3A_138 : i32
        %select_n3A_140 = arith.select %and3A, %sub3A_139, %div3A : i32
        %add3A_141 = arith.addi %mul3A_121, %select_n3A_140 : i32
        %jit3A_142 = arith.constant 8 : i32
        %eq3A_143 = arith.constant 0 : i32
        %eq3A_144 = arith.cmpi eq, %jit3A_142, %eq3A_143 : i32
        %jit3A_145 = arith.constant 1 : i32
        %select_n3A_146 = arith.select %eq3A_144, %jit3A_145, %jit3A_142 : i32
        %rem3A_147 = arith.remsi %scan3A_44, %select_n3A_146 : i32
        %ne3A_148 = arith.constant 0 : i32
        %ne3A_149 = arith.cmpi ne, %rem3A_147, %ne3A_148 : i32
        %lt3A = arith.constant 0 : i32
        %lt3A_150 = arith.cmpi slt, %rem3A_147, %lt3A : i32
        %lt3A_151 = arith.constant 0 : i32
        %lt3A_152 = arith.cmpi slt, %select_n3A_146, %lt3A_151 : i32
        %ne3A_153 = arith.xori %lt3A_150, %lt3A_152 : i1
        %and3A_154 = arith.andi %ne3A_153, %ne3A_149 : i1
        %add3A_155 = arith.addi %rem3A_147, %select_n3A_146 : i32
        %select_n3A_156 = arith.select %and3A_154, %add3A_155, %rem3A_147 : i32
        %mul3A_157 = arith.constant 16 : i32
        %mul3A_158 = arith.muli %select_n3A_156, %mul3A_157 : i32
        %add3A_159 = vector.broadcast %mul3A_29 : i32 to vector<16xi32>
        %add3A_160 = arith.addi %add3A_159, %select_n3A_119 : vector<16xi32>
        %swap3A = arith.index_cast %add3A_141 : i32 to index
        %swap3A_161 = arith.index_cast %mul3A_158 : i32 to index
        %swap3A_162 = tpu.vector_load %arg7[%swap3A, %swap3A_161] {strides = array<i32>} : memref<64x128xi32, #tpu.memory_space<vmem>>, vector<1x16xi32>,
        %swap3A_163 = vector.shape_cast %swap3A_162 : vector<1x16xi32> to vector<16xi32>
        %swap3A_164 = vector.shape_cast %add3A_160 : vector<16xi32> to vector<1x16xi32>
        tpu.vector_store %arg7[%swap3A, %swap3A_161], %swap3A_164 {strides = array<i32>} : memref<64x128xi32, #tpu.memory_space<vmem>>, vector<1x16xi32>,
        %broadcast_in_dim3A_165 = vector.shape_cast %broadcast_in_dim3A_3 : vector<16xi32> to vector<16x1xi32>
        %gather3A_166 = vector.shape_cast %broadcast_in_dim3A_165 : vector<16x1xi32> to vector<16xi32>
        %gather3A_167 = tpu.dynamic_gather %add3A_108[%gather3A_166] in [0] : vector<16xi32>, vector<16xi32> -> vector<16xi32>
        %add3A_168 = arith.addi %scan3A_45, %gather3A_167 : vector<16xi32>
        scf.yield %add3A_168 : vector<16xi32>
      }
      %scan3A_35 = arith.constant 16 : i32
      %scan3A_36 = arith.constant 0 : i32
      %scan3A_37 = arith.constant 0 : i32
      %scan3A_38 = arith.constant 2 : i32
      %scan3A_39 = arith.addi %scan3A_37, %scan3A_38 : i32
      %scan3A_40 = arith.constant 1 : i32
      %scan3A_41 = scf.for %scan3A_44 = %scan3A_37 to %scan3A_39 step %scan3A_40 iter_args(%scan3A_45 = %scan3A_36) -> (i32)  : i32 {
        %mul3A_46 = arith.constant 2 : i32
        %mul3A_47 = arith.muli %scan3A_19, %mul3A_46 : i32
        %add3A_48 = arith.addi %mul3A_47, %scan3A_44 : i32
        %rem3A = arith.constant 2 : i32
        %rem3A_49 = arith.remsi %add3A_48, %rem3A : i32
        %mul3A_50 = arith.constant 128 : i32
        %mul3A_51 = arith.muli %rem3A_49, %mul3A_50 : i32
        %dma_start3A = arith.constant 0 : i32
        %dma_start3A_52 = tpu.memref_slice %arg8[%mul3A_51, %dma_start3A] : memref<256x128xf32, #tpu.memory_space<vmem>> -> memref<128x128xf32, #tpu.memory_space<vmem>>
        %dma_start3A_53 = arith.constant 0 : i32
        %dma_start3A_54 = tpu.memref_slice %arg7[%add3A_48, %dma_start3A_53] : memref<64x128xi32, #tpu.memory_space<vmem>> -> memref<1x128xi32, #tpu.memory_space<vmem>>
        %dma_start3A_55 = tpu.memref_squeeze %dma_start3A_54 : memref<1x128xi32, #tpu.memory_space<vmem>> -> memref<128xi32, #tpu.memory_space<vmem>>
        %dma_start3A_56 = arith.constant 0 : i32
        %dma_start3A_57 = arith.constant 0 : i32
        %dma_start3A_58 = tpu.memref_slice %arg5[%dma_start3A_56, %dma_start3A_57] : memref<262144x256xf32, #tpu.memory_space<hbm>> -> memref<262144x128xf32, #tpu.memory_space<hbm>>
        tpu.enqueue_indirect_dma source(%dma_start3A_52 : memref<128x128xf32, #tpu.memory_space<vmem>>) target(%dma_start3A_58 : memref<262144x128xf32, #tpu.memory_space<hbm>>) offsets(%dma_start3A_55 : memref<128xi32, #tpu.memory_space<vmem>>) semaphore(%arg10 : memref<!tpu.dma_semaphore, #tpu.memory_space<semaphore_mem>>)
        %mul3A_59 = arith.constant 128 : i32
        %mul3A_60 = arith.muli %rem3A_49, %mul3A_59 : i32
        %dma_start3A_61 = arith.constant 0 : i32
        %dma_start3A_62 = tpu.memref_slice %arg9[%mul3A_60, %dma_start3A_61] : memref<256x128xf32, #tpu.memory_space<vmem>> -> memref<128x128xf32, #tpu.memory_space<vmem>>
        %dma_start3A_63 = arith.constant 0 : i32
        %dma_start3A_64 = tpu.memref_slice %arg7[%add3A_48, %dma_start3A_63] : memref<64x128xi32, #tpu.memory_space<vmem>> -> memref<1x128xi32, #tpu.memory_space<vmem>>
        %dma_start3A_65 = tpu.memref_squeeze %dma_start3A_64 : memref<1x128xi32, #tpu.memory_space<vmem>> -> memref<128xi32, #tpu.memory_space<vmem>>
        %dma_start3A_66 = arith.constant 0 : i32
        %dma_start3A_67 = arith.constant 128 : i32
        %dma_start3A_68 = tpu.memref_slice %arg5[%dma_start3A_66, %dma_start3A_67] : memref<262144x256xf32, #tpu.memory_space<hbm>> -> memref<262144x128xf32, #tpu.memory_space<hbm>>
        tpu.enqueue_indirect_dma source(%dma_start3A_62 : memref<128x128xf32, #tpu.memory_space<vmem>>) target(%dma_start3A_68 : memref<262144x128xf32, #tpu.memory_space<hbm>>) offsets(%dma_start3A_65 : memref<128xi32, #tpu.memory_space<vmem>>) semaphore(%arg11 : memref<!tpu.dma_semaphore, #tpu.memory_space<semaphore_mem>>)
        %scan3A_69 = arith.constant 0 : i32
        scf.yield %scan3A_69 : i32
      }
      %scan3A_42 = arith.constant 2 : i32
      %scan3A_43 = arith.constant 0 : i32
      scf.yield %scan3A_43 : i32
    }
    %scan3A_11 = arith.constant 32 : i32
    %scan3A_12 = arith.constant 0 : i32
    %scan3A_13 = arith.constant 0 : i32
    %scan3A_14 = arith.constant 64 : i32
    %scan3A_15 = arith.addi %scan3A_13, %scan3A_14 : i32
    %scan3A_16 = arith.constant 1 : i32
    %scan3A_17 = scf.for %scan3A_19 = %scan3A_13 to %scan3A_15 step %scan3A_16 iter_args(%scan3A_20 = %scan3A_12) -> (i32)  : i32 {
      %dma_wait3A = arith.constant 0 : i32
      %dma_wait3A_21 = arith.constant 0 : i32
      %dma_wait3A_22 = arith.constant 0 : i32
      %dma_wait3A_23 = tpu.memref_slice %arg8[%dma_wait3A_21, %dma_wait3A_22] : memref<256x128xf32, #tpu.memory_space<vmem>> -> memref<128x128xf32, #tpu.memory_space<vmem>>
      %dma_wait3A_24 = arith.constant 0 : i32
      %dma_wait3A_25 = tpu.memref_slice %arg7[%dma_wait3A, %dma_wait3A_24] : memref<64x128xi32, #tpu.memory_space<vmem>> -> memref<1x128xi32, #tpu.memory_space<vmem>>
      %dma_wait3A_26 = tpu.memref_squeeze %dma_wait3A_25 : memref<1x128xi32, #tpu.memory_space<vmem>> -> memref<128xi32, #tpu.memory_space<vmem>>
      %dma_wait3A_27 = arith.constant 0 : i32
      %dma_wait3A_28 = arith.constant 0 : i32
      %dma_wait3A_29 = tpu.memref_slice %arg5[%dma_wait3A_27, %dma_wait3A_28] : memref<262144x256xf32, #tpu.memory_space<hbm>> -> memref<262144x128xf32, #tpu.memory_space<hbm>>
      tpu.wait_indirect_dma semaphore(%arg10 : memref<!tpu.dma_semaphore, #tpu.memory_space<semaphore_mem>>) src(%dma_wait3A_23 : memref<128x128xf32, #tpu.memory_space<vmem>>) dst(%dma_wait3A_29 : memref<262144x128xf32, #tpu.memory_space<hbm>>)
      %dma_wait3A_30 = arith.constant 0 : i32
      %dma_wait3A_31 = arith.constant 0 : i32
      %dma_wait3A_32 = arith.constant 0 : i32
      %dma_wait3A_33 = tpu.memref_slice %arg9[%dma_wait3A_31, %dma_wait3A_32] : memref<256x128xf32, #tpu.memory_space<vmem>> -> memref<128x128xf32, #tpu.memory_space<vmem>>
      %dma_wait3A_34 = arith.constant 0 : i32
      %dma_wait3A_35 = tpu.memref_slice %arg7[%dma_wait3A_30, %dma_wait3A_34] : memref<64x128xi32, #tpu.memory_space<vmem>> -> memref<1x128xi32, #tpu.memory_space<vmem>>
      %dma_wait3A_36 = tpu.memref_squeeze %dma_wait3A_35 : memref<1x128xi32, #tpu.memory_space<vmem>> -> memref<128xi32, #tpu.memory_space<vmem>>
      %dma_wait3A_37 = arith.constant 0 : i32
      %dma_wait3A_38 = arith.constant 128 : i32
      %dma_wait3A_39 = tpu.memref_slice %arg5[%dma_wait3A_37, %dma_wait3A_38] : memref<262144x256xf32, #tpu.memory_space<hbm>> -> memref<262144x128xf32, #tpu.memory_space<hbm>>
      tpu.wait_indirect_dma semaphore(%arg11 : memref<!tpu.dma_semaphore, #tpu.memory_space<semaphore_mem>>) src(%dma_wait3A_33 : memref<128x128xf32, #tpu.memory_space<vmem>>) dst(%dma_wait3A_39 : memref<262144x128xf32, #tpu.memory_space<hbm>>)
      %scan3A_40 = arith.constant 0 : i32
      scf.yield %scan3A_40 : i32
    }
    %scan3A_18 = arith.constant 64 : i32
    return
  }
}

module attributes {stable_mosaic.version = 14 : i64} {
  func.func @_tc_body(%arg0: i32, %arg1: memref<16x256xi32, #tpu.memory_space<vmem>>, %arg2: memref<64x256xf32, #tpu.memory_space<vmem>>, %arg3: memref<4096x256xf32, #tpu.memory_space<vmem>>, %arg4: memref<16x320x256xf32, #tpu.memory_space<vmem>>) attributes {dimension_semantics = [#tpu.dimension_semantics<arbitrary>], iteration_bounds = array<i64: 64>, scalar_prefetch = 0 : i64, scratch_operands = 0 : i64, tpu.core_type = #tpu.core_type<tc>, window_params = [{transform_indices = @transform_0, window_bounds = array<i64: 16, 256>}, {pipeline_mode = #tpu.pipeline_mode<synchronous>, transform_indices = @transform_1, window_bounds = array<i64: 64, 256>}, {transform_indices = @transform_2, window_bounds = array<i64: 4096, 256>}, {transform_indices = @transform_3, window_bounds = array<i64: 16, 320, 256>}]} {
    %get3A = arith.constant 0 : index
    %get3A_0 = arith.constant 0 : index
    %get3A_1 = vector.load %arg1[%get3A, %get3A_0] : memref<16x256xi32, #tpu.memory_space<vmem>>, vector<16x256xi32>
    %convert_element_type3A = arith.sitofp %get3A_1 : vector<16x256xi32> to vector<16x256xf32>
    %iota3A = tpu.iota {dimensions = array<i32: 0>} : vector<256x256xi32>
    %iota3A_2 = tpu.iota {dimensions = array<i32: 1>} : vector<256x256xi32>
    %lt3A = arith.cmpi slt, %iota3A, %iota3A_2 : vector<256x256xi32>
    %convert_element_type3A_3 = arith.extui %lt3A : vector<256x256xi1> to vector<256x256xi32>
    %convert_element_type3A_4 = arith.sitofp %convert_element_type3A_3 : vector<256x256xi32> to vector<256x256xf32>
    %dot_general3A = arith.constant dense<0.000000e+00> : vector<16x256xf32>
    %dot_general3A_5 = tpu.matmul %convert_element_type3A, %convert_element_type3A_4, %dot_general3A {dimension_numbers = #tpu.dot_dimension_numbers<[1], [0], [0], [1], [0, 0, 1, 1], [], []>, transpose_lhs_hint = false} : vector<16x256xf32>, vector<256x256xf32>, vector<16x256xf32> -> vector<16x256xf32>
    %reduce_sum3A = arith.constant dense<0.000000e+00> : vector<16xf32>
    %reduce_sum3A_6 = vector.multi_reduction <add>, %convert_element_type3A, %reduce_sum3A [1] : vector<16x256xf32> to vector<16xf32>
    %broadcast_in_dim3A = vector.shape_cast %reduce_sum3A_6 : vector<16xf32> to vector<16x1xf32>
    %iota3A_7 = tpu.iota {dimensions = array<i32: 1>} : vector<16x256xi32>
    %convert_element_type3A_8 = arith.sitofp %iota3A_7 : vector<16x256xi32> to vector<16x256xf32>
    %gt3A = arith.constant 5.000000e-01 : f32
    %gt3A_9 = vector.broadcast %gt3A : f32 to vector<16x256xf32>
    %gt3A_10 = arith.cmpf ogt, %convert_element_type3A, %gt3A_9 : vector<16x256xf32>
    %add3A = vector.broadcast %broadcast_in_dim3A : vector<16x1xf32> to vector<16x256xf32>
    %add3A_11 = arith.addf %add3A, %convert_element_type3A_8 : vector<16x256xf32>
    %sub3A = arith.subf %add3A_11, %dot_general3A_5 : vector<16x256xf32>
    %select_n3A = arith.select %gt3A_10, %dot_general3A_5, %sub3A : vector<16x256xi1>, vector<16x256xf32>
    %convert_element_type3A_12 = arith.fptosi %select_n3A : vector<16x256xf32> to vector<16x256xi32>
    %iota3A_13 = tpu.iota {dimensions = array<i32: 2>} : vector<16x256x256xi32>
    %broadcast_in_dim3A_14 = vector.shape_cast %convert_element_type3A_12 : vector<16x256xi32> to vector<16x256x1xi32>
    %eq3A = vector.broadcast %broadcast_in_dim3A_14 : vector<16x256x1xi32> to vector<16x256x256xi32>
    %eq3A_15 = arith.cmpi eq, %eq3A, %iota3A_13 : vector<16x256x256xi32>
    %convert_element_type3A_16 = arith.extui %eq3A_15 : vector<16x256x256xi1> to vector<16x256x256xi32>
    %convert_element_type3A_17 = arith.sitofp %convert_element_type3A_16 : vector<16x256x256xi32> to vector<16x256x256xf32>
    %get3A_18 = arith.constant 0 : index
    %get3A_19 = arith.constant 0 : index
    %get3A_20 = vector.load %arg2[%get3A_18, %get3A_19] : memref<64x256xf32, #tpu.memory_space<vmem>>, vector<64x256xf32>
    %dot_general3A_21 = arith.constant dense<0.000000e+00> : vector<64x16x256xf32>
    %dot_general3A_22 = tpu.matmul %get3A_20, %convert_element_type3A_17, %dot_general3A_21 {dimension_numbers = #tpu.dot_dimension_numbers<[1], [1], [0], [0, 2], [0, 0, 1, 0, 1, 2], [], []>, transpose_lhs_hint = false} : vector<64x256xf32>, vector<16x256x256xf32>, vector<64x16x256xf32> -> vector<64x16x256xf32>
    %get3A_23 = arith.constant 0 : index
    %get3A_24 = arith.constant 0 : index
    %get3A_25 = vector.load %arg3[%get3A_23, %get3A_24] : memref<4096x256xf32, #tpu.memory_space<vmem>>, vector<4096x256xf32>
    %reshape3A = vector.shape_cast %get3A_25 : vector<4096x256xf32> to vector<16x256x256xf32>
    %transpose3A = tpu.transpose %reshape3A, [0, 2, 1] : vector<16x256x256xf32> -> vector<16x256x256xf32>
    %swap3A = arith.constant 0 : index
    %swap3A_26 = arith.constant 0 : index
    %swap3A_27 = arith.constant 0 : index
    %swap3A_28 = vector.load %arg4[%swap3A, %swap3A_26, %swap3A_27] : memref<16x320x256xf32, #tpu.memory_space<vmem>>, vector<16x256x256xf32>
    tpu.vector_store %arg4[%swap3A, %swap3A_26, %swap3A_27], %transpose3A {strides = array<i32>} : memref<16x320x256xf32, #tpu.memory_space<vmem>>, vector<16x256x256xf32>,
    %transpose3A_29 = tpu.transpose %dot_general3A_22, [1, 0, 2] : vector<64x16x256xf32> -> vector<16x64x256xf32>
    %swap3A_30 = arith.constant 0 : index
    %swap3A_31 = arith.constant 256 : index
    %swap3A_32 = arith.constant 0 : index
    %swap3A_33 = vector.load %arg4[%swap3A_30, %swap3A_31, %swap3A_32] : memref<16x320x256xf32, #tpu.memory_space<vmem>>, vector<16x64x256xf32>
    tpu.vector_store %arg4[%swap3A_30, %swap3A_31, %swap3A_32], %transpose3A_29 {strides = array<i32>} : memref<16x320x256xf32, #tpu.memory_space<vmem>>, vector<16x64x256xf32>,
    return
  }
  func.func @transform_0(%arg0: i32) -> (i32, i32) {
    %c0_i32 = arith.constant 0 : i32
    %c0_i32_0 = arith.constant 0 : i32
    return %arg0, %c0_i32 : i32, i32
  }
  func.func @transform_1(%arg0: i32) -> (i32, i32) {
    %c0_i32 = arith.constant 0 : i32
    %c0_i32_0 = arith.constant 0 : i32
    %c0_i32_1 = arith.constant 0 : i32
    return %c0_i32, %c0_i32_0 : i32, i32
  }
  func.func @transform_2(%arg0: i32) -> (i32, i32) {
    %c0_i32 = arith.constant 0 : i32
    %c0_i32_0 = arith.constant 0 : i32
    return %arg0, %c0_i32 : i32, i32
  }
  func.func @transform_3(%arg0: i32) -> (i32, i32, i32) {
    %c0_i32 = arith.constant 0 : i32
    %c0_i32_0 = arith.constant 0 : i32
    %c0_i32_1 = arith.constant 0 : i32
    return %arg0, %c0_i32, %c0_i32_0 : i32, i32, i32
  }
}

</mosaic_0001>

<sc_bundles>
// kernel: kernel.4.cloned.1.call-start
scs
__scs_entry_jumppad:
0x0: {  	(pc) =	sbr.rel $0x88, $3  }
0x1: {  	(tag) =	ssettag $0x0;
	lr =	simm.s32 $0x1  }
0x2: {  	[smem:$0x3F9E] =	sst lr;
	_ =	strace $0xD0000000  }
0x3: {  	_ = 	snop  }
0x4: {  	_ = 	snop  }
0x5: {  	_ = 	snop  }
0x6: {  	_ = 	snop  }
0x7: {  	_ = 	snop  }
__scs_overlays_trampoline_lowered:
0x8: {  	[smem:$0x3FAD] =	sst s0  }
0x9: {  	[smem:$0x3FAE] =	sst s1  }
0xa: {  	[smem:$0x3FAF] =	sst s2  }
0xb: {  	[smem:$0x3FB0] =	sst s3  }
0xc: {  	[smem:$0x3FB1] =	sst s4  }
0xd: {  	[smem:$0x3FB2] =	sst s5  }
0xe: {  	[smem:$0x3FB3] =	sst s6  }
0xf: {  	[smem:$0x3FB4] =	sst s7  }
0x10: {  	[smem:$0x3FB5] =	sst s8  }
0x11: {  	[smem:$0x3FB6] =	sst s9;
	s0 =	simm.s32 @!p0 $0x0  }
0x12: {  	s1 =	sld [smem:$0x3F9C];
	s0 =	simm.s32 @p0 $0x1  }
0x13: {  	[smem:$0x3FB7] =	sst s0;
	s0 =	simm.s32 @!p1 $0x0  }
0x14: {  	s2 =	sld [smem:$0x3F9B];
	s0 =	simm.s32 @p1 $0x1  }
0x15: {  	[smem:$0x3FB8] =	sst s0;
	s0 =	simm.s32 @!p2 $0x0  }
0x16: {  	s3 =	sld [smem:$0x3FDB];
	s0 =	simm.s32 @p2 $0x1  }
0x17: {  	s4 =	simm.s32 $0x1BF5;
	[smem:$0x3FBA] =	sst s0  }
0x18: {  	s0 =	sld [smem:$0x3F9D];
	_ =	swait.ge [sflag:s4], $0x0  }
0x19: {  	s7 =	sld [smem:$0x3F9E]  }
0x1a: {  	s8 =	sadd.s32 $0xFFFFE003, lr  }
0x1b: {  	s9 =	sadd.s32 $0xFFFFFEF7, lr;
	s5 =	simm.s32 $0xFFFFFFFF;
	p2 =	slt.u32 s8, $0xFFFFF086  }
0x1c: {  	p1 =	slt.u32 s9, $0xF7A;
	s5 =	simm.s32 @!p2 $0x0  }
0x1d: {  	s5 =	simm.s32 @p1 $0x1;
	p0 =	seq.s32 s7, s2  }
0x1e: {  	s7 =	smul.u32 @!p0 $0xF7A, s2;
	p2 =	seq.s32 @!p0 s5, $0x0  }
0x1f: {  	s9 =	smul.u32 $0xF7A, s1;
	s8 =	simm.s32 @!p0 $0x1BF5;
	p2 =	por !p2, p0  }
0x20: {  	[sflag:s8] =	ssyncset.s32 @!p0 $0xFFFFF086;
	s6 =	sadd.s32 @!p0 s3, s7;
	s7 =	simm.s32 @!p0 $0x108  }
0x21: {  	s3 =	sadd.s32 s3, s9;
	s6 =	sadd.s32 @!p0 $0x88, s6;
	s7 =	simm.s32 @p2 $0x1082  }
0x22: {  	[simem:s7], [sflag:s8] =	dma.local @!p0 [hbm:s6], $0xF7A  }
0x23: {  	s9 =	sor.u32 $0xD0000000, s2;
	s6 =	simm.s32 $0x108;
	_ =	swait.ge @!p0 [sflag:s8], $0x0  }
0x24: {  	s3 =	sadd.s32 $0x88, s3;
	s6 =	simm.s32 @!p1 $0x1082;
	[sflag:s4] =	ssyncset.s32 $0xFFFFF086  }
0x25: {  	[simem:s6], [sflag:s4] =	dma.local [hbm:s3], $0xF7A  }
0x26: {  	[smem:$0x3F9E] =	sst s1;
	(tag) =	ssettag s2;
	_ =	strace s9  }
0x27: {  	s1 =	sld [smem:$0x3FAE]  }
0x28: {  	s2 =	sld [smem:$0x3FAF]  }
0x29: {  	s4 =	sld [smem:$0x3FB1]  }
0x2a: {  	p0 =	seq.s32 s5, $0x0;
	s5 =	sld [smem:$0x3FB2]  }
0x2b: {  	s6 =	sld [smem:$0x3FB3]  }
0x2c: {  	s7 =	sld [smem:$0x3FB4]  }
0x2d: {  	s3 =	simm.s32 $0x108;
	s8 =	sld [smem:$0x3FB5]  }
0x2e: {  	s3 =	simm.s32 @!p0 $0x1082;
	s9 =	sld [smem:$0x3FB6]  }
0x2f: {  	lr =	sadd.s32 s0, s3;
	s0 =	sld [smem:$0x3FAD]  }
0x30: {  	s3 =	sld [smem:$0x3FB0]  }
0x31: {  	[smem:$0x3FB9] =	sst s10  }
0x32: {  	s10 =	sld [smem:$0x3FB7];
	_ =	sdelay $0x3  }
0x33: {  	p0 =	seq.s32 s10, $0x1;
	s10 =	sld [smem:$0x3FB9];
	_ =	sdelay $0x3  }
0x34: {  	[smem:$0x3FB9] =	sst s10  }
0x35: {  	s10 =	sld [smem:$0x3FB8];
	_ =	sdelay $0x3  }
0x36: {  	p1 =	seq.s32 s10, $0x1;
	s10 =	sld [smem:$0x3FB9];
	_ =	sdelay $0x3  }
0x37: {  	[smem:$0x3FB9] =	sst s10  }
0x38: {  	s10 =	sld [smem:$0x3FBA]  }
0x39: {  	_ = 	snop;
	(pc) =	sbr.ind lr, $3  }
0x3a: {  	_ = 	snop  }
0x3b: {  	_ = 	snop  }
0x3c: {  	p2 =	seq.s32 s10, $0x1;
	s10 =	sld [smem:$0x3FB9]  }
0x3d: {  	_ =	shalt  }
0x3e: {  	_ =	shalt  }
0x3f: {  	_ =	shalt  }
0x40: {  	_ =	shalt  }
0x41: {  	_ =	shalt  }
0x42: {  	_ =	shalt  }
0x43: {  	_ =	shalt  }
0x44: {  	_ =	shalt  }
0x45: {  	_ =	shalt  }
0x46: {  	_ =	shalt  }
0x47: {  	_ =	shalt  }
0x48: {  	_ =	shalt  }
0x49: {  	_ =	shalt  }
0x4a: {  	_ =	shalt  }
0x4b: {  	_ =	shalt  }
0x4c: {  	_ =	shalt  }
0x4d: {  	_ =	shalt  }
0x4e: {  	_ =	shalt  }
0x4f: {  	_ =	shalt  }
0x50: {  	_ =	shalt  }
0x51: {  	_ =	shalt  }
0x52: {  	_ =	shalt  }
0x53: {  	_ =	shalt  }
0x54: {  	_ =	shalt  }
0x55: {  	_ =	shalt  }
0x56: {  	_ =	shalt  }
0x57: {  	_ =	shalt  }
0x58: {  	_ =	shalt  }
0x59: {  	_ =	shalt  }
0x5a: {  	_ =	shalt  }
0x5b: {  	_ =	shalt  }
0x5c: {  	_ =	shalt  }
0x5d: {  	_ =	shalt  }
0x5e: {  	_ =	shalt  }
0x5f: {  	_ =	shalt  }
0x60: {  	_ =	shalt  }
0x61: {  	_ =	shalt  }
0x62: {  	_ =	shalt  }
0x63: {  	_ =	shalt  }
0x64: {  	_ =	shalt  }
0x65: {  	_ =	shalt  }
0x66: {  	_ =	shalt  }
0x67: {  	_ =	shalt  }
0x68: {  	_ =	shalt  }
0x69: {  	_ =	shalt  }
0x6a: {  	_ =	shalt  }
0x6b: {  	_ =	shalt  }
0x6c: {  	_ =	shalt  }
0x6d: {  	_ =	shalt  }
0x6e: {  	_ =	shalt  }
0x6f: {  	_ =	shalt  }
0x70: {  	_ =	shalt  }
0x71: {  	_ =	shalt  }
0x72: {  	_ =	shalt  }
0x73: {  	_ =	shalt  }
0x74: {  	_ =	shalt  }
0x75: {  	_ =	shalt  }
0x76: {  	_ =	shalt  }
0x77: {  	_ =	shalt  }
0x78: {  	_ =	shalt  }
0x79: {  	_ =	shalt  }
0x7a: {  	_ =	shalt  }
0x7b: {  	_ =	shalt  }
0x7c: {  	_ =	shalt  }
0x7d: {  	_ =	shalt  }
0x7e: {  	_ =	shalt  }
0x7f: {  	_ =	shalt  }
0x80: {  	_ =	shalt  }
0x81: {  	_ =	shalt  }
0x82: {  	_ =	shalt  }
0x83: {  	_ =	shalt  }
0x84: {  	_ =	shalt  }
0x85: {  	_ =	shalt  }
0x86: {  	_ =	shalt  }
0x87: {  	_ =	shalt  }
.Lfunc_end0:
.L_simem_size_0:
called_computation_lowered:
.L_overlay_start_0:
0x88: {  	s2 =	sld [smem:$0x3FD9]  }
0x89: {  	s3 =	sld [smem:$0x3FFE];
	_ =	sdelay $0x1  }
0x8a: {  	s1 =	srdreg.scid  }
0x8b: {  	s0 =	sand.u32 $0x1, s1  }
0x8c: {  	s17 =	sshll.u32 s0, $0xA;
	s2 =	sadd.s32 s3, s2  }
0x8d: {  	s2 =	sadd.s32 s2, s17  }
0x8e: {  	[smem:$0x3FC5] =	sst s2  }
0x8f: {  	_ = 	snop  }
0x90: {  	s2 =	sld [smem:$0x3FC9]  }
0x91: {  	s18 =	sld [smem:$0x3FD0];
	(tm) =	ssettm $0x1  }
0x92: {  	s4 =	sld [smem:$0x3FFB];
	_ =	sdelay $0x3  }
0x93: {  	_ =	strace s4  }
0x94: {  	s4 =	sld [smem:$0x3FFC];
	_ =	sdelay $0x3  }
0x95: {  	_ =	strace s4  }
0x96: {  	s4 =	sld [smem:$0x3FFD];
	_ =	sdelay $0x3  }
0x97: {  	_ =	strace s4  }
0x98: {  	_ =	strace $0x8FFFFFFF  }
0x99: {  	s19 =	sld [smem:$0x3FDB];
	_ =	sdelay $0x1  }
0x9a: {  	s5 =	simm.s32 $_scs_section_size  }
0x9b: {  	s6 =	simm.s32 $_size__tile_overlayer_lowered;
	s7 =	simm.s32 $_tile_overlayer_lowered  }
0x9c: {  	s22 =	simm.s32 $0x1BFF;
	s21 =	sshll.u32 s7, $0x1;
	s4 =	sadd.s32 s5, s19  }
0x9d: {  	s8 =	simm.s32 $0x0;
	s20 =	sshll.u32 s6, $0x1;
	s6 =	sadd.s32 s21, s4  }
0x9e: {  	[timem:s8], [sflag:s22] =	dma.local [hbm:s6], s20  }
0x9f: {  	_ =	swait.ge [sflag:s22], s20  }
0xa0: {  	s5 =	ssub.s32 $0x0, s20;
	[sflag:s22] =	ssyncset.done $0x0  }
0xa1: {  	[sflag:s22] =	ssyncadd.s32 s5;
	_ =	sdelay $0x1  }
0xa2: {  	s23 =	simm.s32 $0x1B8B  }
0xa3: {  	_ =	swait.ge [sflag:s23], $0x1  }
0xa4: {  	[sflag:s23] =	ssyncset.done $0x0  }
0xa5: {  	s25 =	simm.s32 $0x1B8E;
	s24 =	sld [smem:$0x3FFE];
	[sflag:s23] =	ssyncadd.s32 $0xFFFFFFFF  }
0xa6: {  	s26 =	simm.s32 $execute0_lowered;
	[smem:$0x3FD2] =	sst s25  }
0xa7: {  	s6 =	sshll.u32 s26, $0x1;
	_ =	strace $0x80000046;
	[dreg:$0x1] =	wrdreg $0xFFFFFFFF  }
0xa8: {  	s28 =	simm.s32 $_size_execute0_lowered;
	s4 =	sadd.s32 s4, s6;
	[dreg:$0x0] =	wrdreg $0x0  }
0xa9: {  	s6 =	sshll.u32 s28, $0x1;
	[dreg:$0x2] =	wrdreg s4  }
0xaa: {  	[dreg:$0x3] =	wrdreg s6  }
0xab: {  	[dreg:$0x4] =	wrdreg $0xC0  }
0xac: {  	_ =	task [dreg:s8], $0x5FFFF  }
0xad: {  	[dreg:$0x1] =	wrdreg $0xFFFFFFFF  }
0xae: {  	[dreg:$0x0] =	wrdreg $0x60  }
0xaf: {  	[dreg:$0x2] =	wrdreg s2  }
0xb0: {  	[dreg:$0x3] =	wrdreg s24  }
0xb1: {  	[dreg:$0x4] =	wrdreg s18  }
0xb2: {  	[dreg:$0x5] =	wrdreg $0x9  }
0xb3: {  	_ =	task.clear_ibuf [dreg:s8], $0x6FFFF;
	_ =	strace $0x90000046  }
0xb4: {  	s29 =	simm.s32 $0x9;
	_ =	strace $0x80000048  }
0xb5: {  	_ =	swait.ge [sflag:s29], $0x1  }
0xb6: {  	[sflag:s29] =	ssyncadd.s32 $0xFFFFFFFF  }
0xb7: {  	_ =	strace $0x90000048  }
0xb8: {  	_ =	sfence  }
0xb9: {  	s30 =	sld [smem:$0x0];
	_ =	sdelay $0x2  }
0xba: {  	s31 =	sshll.u32 s1, $0xD;
	s1 =	sshrl.u32 s1, $0x2  }
0xbb: {  	s3 =	sand.u32 $0x4000, s31;
	s1 =	sadd.s32 s1, s30  }
0xbc: {  	s0 =	sor.u32 s3, s0;
	s1 =	sshll.u32 s1, $0x11  }
0xbd: {  	s0 =	sor.u32 s1, s0  }
0xbe: {  	s0 =	sadd.s32 $0x8F2B, s0  }
0xbf: {  	[sflag:s0] =	ssyncadd.remote.s32 $0x1  }
0xc0: {  	_ =	sfence.sel $0xFFFF  }
0xc1: {  	[dreg:$0x0] =	wrdreg $0xFFFFFFFF;
	(pc) =	sbr.abs _section_cstart, $3  }
0xc2: {  	[dreg:$0x1] =	wrdreg $0xFFFFFFFF  }
0xc3: {  	_ =	task.clear_ibuf [dreg:s8], $0x2FFFF;
	_ =	strace $0x9FFFFFFF  }
0xc4: {  	(tm) =	ssettm $0x7FFFFFFF  }
0xc5: {  	_ =	shalt  }
tec
execute0_lowered:
.L_overlay_start_1:
0x0: {  	(tag) =	ssettag $0x1  }
0x1: {  	v0 =	vimm.s32 $0xEDCBA987  }
0x2: {  	v1 =	vimm.s32 $0x65432100;
	v2 =	vimm.s32 $0xDCBA9876;
	v3 =	vimm.s32 $0x54321000  }
0x3: {  	v4 =	vimm.s32 $0xBA987654;
	vm0 =	vmmov $0x3;
	vm2 =	vcmask $0x3F30  }
0x4: {  	vm1 =	vmmov $0xf;
	v8 =	vimm.s32 $0x0;
	vm3 =	vmmov $0x1  }
0x5: {  	v10 =	vimm.s32 $0x2;
	v11 =	vimm.s32 $0x3;
	v12 =	vimm.s32 $0x4  }
0x6: {  	v13 =	vimm.s32 $0x5;
	v14 =	vimm.s32 $0x6;
	v0 =	vunpack.c.l.s4.s8 v0  }
0x7: {  	v15 =	vimm.s32 $0x8;
	v16 =	vimm.s32 $0x9;
	v1 =	vunpack.c.l.s4.s8 v1  }
0x8: {  	s7 =	rddreg [dreg:$0x0];
	v17 =	vimm.s32 $0xA;
	v2 =	vunpack.c.l.s4.s8 v2;
	v0 =	vunpack.c.0.s8.s32 v0  }
0x9: {  	s8 =	rddreg [dreg:$0x1];
	v18 =	vimm.s32 $0xB;
	v19 =	vimm.s32 $0xC;
	v1 =	vunpack.c.0.s8.s32 v1  }
0xa: {  	s1 =	rddreg [dreg:$0x2];
	v20 =	vimm.s32 $0xD;
	v2 =	vunpack.c.0.s8.s32 v2;
	v0 =	vand.u32 $0xF, v0  }
0xb: {  	s0 =	rddreg [dreg:$0x3];
	v0 =	vcombine.low v1, v0;
	v1 =	vunpack.c.l.s4.s8 v3;
	v3 =	vimm.s32 $0xE40000  }
0xc: {  	s2 =	simm.s32 $0x0;
	s4 =	srdreg.scid;
	s3 =	stileid.u32;
	v21 =	vimm.s32 $0xE;
	v4 =	vunpack.c.l.s4.s8 v4;
	v3 =	vunpack.c.l.s2.s4 v3  }
0xd: {  	s11 =	simm.s32 $0x3;
	s12 =	simm.s32 $0xC000;
	s13 =	simm.s32 $0x1;
	v2 =	vand.u32 $0xF, v2;
	v5 =	vunpack.c.0.s8.s32 v1;
	v1 =	vimm.s32 $0x32100000  }
0xe: {  	s14 =	simm.s32 $0x2;
	s15 =	simm.s32 $0x0;
	[smem:$0x7FF] =	sst s2;
	v6 =	vunpack.c.l.s4.s8 v1;
	v3 =	vunpack.c.l.s4.s8 v3;
	v1 =	vlaneseq.u32  }
0xf: {  	s4 =	sand.u32 $0x1, s4;
	s5 =	sshll.u32 s3, $0x6;
	_ =	strace $0x80000047;
	v4 =	vunpack.c.0.s8.s32 v4;
	v2 =	vcombine.low v5, v2;
	v9 =	vmul.u32 $0x8, v1  }
0x10: {  	s9 =	ssub.s32 $0x2, s4;
	s6 =	sshll.u32 s4, $0x5;
	s4 =	sadd.s32 $0xA00, s8;
	v5 =	vunpack.c.0.s8.s32 v6;
	v6 =	vimm.s32 $0x7060504;
	v7 =	vunpack.c.0.s8.s32 v3  }
0x11: {  	s10 =	sshrl.u32 s9, $0x1;
	s5 =	sor.u32 s6, s5;
	s6 =	sadd.s32 $0x1A00, s8;
	v3 =	vand.u32 $0xF, v4;
	v4 =	vunpack.c.0.s8.s32 v6;
	v6 =	vimm.s32 $0x7  }
0x12: {  	s8 =	sadd.s32 $0x1A80, s8;
	s9 =	ssub.s32 s9, s10;
	s31 =	sshll.u32 s5, $0x5;
	v3 =	vcombine.low v5, v3;
	v5 =	vand.u32 $0x3, v7;
	v7 =	vimm.s32 $0x1  }
0x13: {  	s10 =	simm.s32 $0x4000;
	s7 =	sadd.s32 s7, s31;
	s9 =	smax.u32 s9, $0x1;
	v4 =	vsel vm2, v4, v5;
	vm2 =	vmmov $0xff;
	v5 =	vimm.s32 $0xF  }
.LBB2_1:
0x14: {  	[tilespmem:s10], [sflag:$0x3] =	stream.linear.gather [hbm4b:s4+s2], $0x8000, $0x38;
	[tilespmem:$0x14000] =	vst v63  }
0x15: {  	_ =	swait.ge [sflag:s11], $0x8000  }
0x16: {  	[sflag:s11] =	ssyncset.done $0x0  }
0x17: {  	[sflag:s11] =	ssyncadd.s32 $0xFFFF8000  }
0x18: {  	[tilespmem:s12], [sflag:$0x3] =	stream.linear.gather [hbm4b:s1+s2], $0x8000, $0x38;
	[tilespmem:$0x14000] =	vst v63  }
0x19: {  	_ =	swait.ge [sflag:s11], $0x8000  }
0x1a: {  	[sflag:s11] =	ssyncset.done $0x0  }
0x1b: {  	[sflag:s11] =	ssyncadd.s32 $0xFFFF8000  }
0x1c: {  	[tilespmem:s2], [sflag:$0x3] =	stream.linear.gather [hbm4b:s7+s2], $0x2000, $0x38;
	[tilespmem:$0x14000] =	vst v63  }
0x1d: {  	_ =	swait.ge [sflag:s11], $0x2000  }
0x1e: {  	[sflag:s11] =	ssyncset.done $0x0  }
0x1f: {  	s16 =	simm.s32 $0x0;
	[sflag:s11] =	ssyncadd.s32 $0xFFFFE000  }
.LBB2_2:
0x20: {  	s18 =	sshll.u32 s16, $0x8;
	s17 =	sshll.u32 s16, $0x7  }
0x21: {  	s20 =	simm.s32 $0x0;
	s19 =	sand.u32 $0x1800, s18;
	s17 =	sand.u32 $0x380, s17  }
0x22: {  	s24 =	sand.u32 $0x400, s20;
	s17 =	sor.u32 s17, s19  }
0x23: {  	s20 =	sand.u32 $0x70, s20;
	s19 =	sadd.s32 s24, s17  }
0x24: {  	s19 =	sadd.s32 s20, s19  }
0x25: {  	v22 =	vld [tilespmem:s19+$0x0]  }
0x26: {  	s25 =	simm.s32 $0x80  }
0x27: {  	s26 =	simm.s32 $0x10;
	s19 =	sand.u32 $0x400, s25  }
0x28: {  	s20 =	sand.u32 $0x70, s26;
	s19 =	sadd.s32 s19, s17  }
0x29: {  	s19 =	sadd.s32 s20, s19  }
0x2a: {  	v25 =	vld [tilespmem:s19+$0x0];
	v23 =	vperm.xlane v22, v0  }
0x2b: {  	vm4 =	veq.s32 v1, $0x0  }
0x2c: {  	s28 =	simm.s32 $0x100;
	v23 =	vsel vm4, $0x0, v23  }
0x2d: {  	s29 =	simm.s32 $0x20;
	s19 =	sand.u32 $0x400, s28;
	v22 =	vadd.s32 v22, v23  }
0x2e: {  	s20 =	sand.u32 $0x70, s29;
	s19 =	sadd.s32 s19, s17;
	v23 =	vperm.xlane v22, v2  }
0x2f: {  	s19 =	sadd.s32 s20, s19;
	v26 =	vperm.xlane v25, v0  }
0x30: {  	v24 =	vld [tilespmem:s19+$0x0];
	v23 =	vsel vm0, $0x0, v23  }
0x31: {  	v22 =	vadd.s32 v23, v22;
	v23 =	vsel vm4, $0x0, v26  }
0x32: {  	s30 =	simm.s32 $0x180;
	v26 =	vperm.xlane v22, v3;
	v23 =	vadd.s32 v25, v23  }
0x33: {  	s31 =	simm.s32 $0x30;
	s19 =	sand.u32 $0x400, s30;
	v27 =	vperm.xlane v23, v2  }
0x34: {  	s20 =	sand.u32 $0x70, s31;
	s19 =	sadd.s32 s19, s17;
	v25 =	vsel vm1, $0x0, v26  }
0x35: {  	s20 =	sadd.s32 s20, s19;
	v28 =	vperm.xlane v24, v0;
	v25 =	vadd.s32 v25, v22;
	v26 =	vsel vm0, $0x0, v27  }
0x36: {  	v30 =	vperm.xlane v25, v4;
	v23 =	vadd.s32 v26, v23;
	v26 =	vld [tilespmem:s20+$0x0]  }
0x37: {  	v29 =	vsel vm4, $0x0, v28  }
0x38: {  	s19 =	simm.s32 $0x40;
	v22 =	vimm.s32 $0x0;
	s20 =	simm.s32 $0x200;
	v27 =	vperm.xlane v23, v3;
	v28 =	vsel vm2, $0x0, v30  }
.LBB2_3:
0x39: {  	s21 =	sand.u32 $0x70, s19;
	s22 =	sand.u32 $0x400, s20;
	v29 =	vadd.s32 v24, v29;
	v31 =	vadd.s32 v28, v25;
	p0 =	sne.s32 s19, $0xF0  }
.Ltmp0:
0x3a: {  	s19 =	sadd.s32 $0x10, s19;
	s22 =	sadd.s32 s22, s17;
	v28 =	vperm.xlane v29, v2;
	v25 =	vsel vm1, $0x0, v27;
	v27 =	vperm.xlane v31, v5;
	(pc) =	sbr.rel @p0 .LBB2_3-.Ltmp0, $4  }
0x3b: {  	s21 =	sadd.s32 s21, s22;
	v30 =	vperm.xlane v26, v0;
	v25 =	vadd.s32 v25, v23;
	v24 =	vmov v26  }
0x3c: {  	v26 =	vld [tilespmem:s21+$0x0];
	v23 =	vsel vm0, $0x0, v28;
	v28 =	vperm.xlane v25, v4;
	v22 =	vadd.s32 v22, v27  }
0x3d: {  	v23 =	vadd.s32 v23, v29  }
0x3e: {  	s20 =	sadd.s32 $0x80, s20;
	v29 =	vsel vm4, $0x0, v30;
	v27 =	vperm.xlane v23, v3;
	v28 =	vsel vm2, $0x0, v28  }
0x3f: {  	s19 =	simm.s32 $0x0  }
0x40: {  	s20 =	sand.u32 $0x400, s19  }
0x41: {  	s24 =	sand.u32 $0x70, s19;
	s20 =	sadd.s32 s20, s17  }
0x42: {  	s20 =	sadd.s32 s24, s20  }
0x43: {  	v30 =	vld [tilespmem:s20+$0x0];
	_ =	sdelay $0x1  }
0x44: {  	v31 =	vperm.xlane v26, v0  }
0x45: {  	v24 =	vadd.s32 v24, v29;
	vm4 =	veq.s32 v1, $0x0  }
0x46: {  	v29 =	vperm.xlane v24, v2;
	v31 =	vsel vm4, $0x0, v31  }
0x47: {  	v25 =	vadd.s32 v28, v25;
	v26 =	vadd.s32 v26, v31;
	v56 =	vperm.xlane v30, v0  }
0x48: {  	v27 =	vsel vm1, $0x0, v27;
	v57 =	vsel vm0, $0x0, v29;
	v58 =	vperm.xlane v26, v2  }
0x49: {  	v25 =	vperm.xlane v25, v5;
	v24 =	vadd.s32 v57, v24;
	v59 =	vsel vm4, $0x0, v56  }
0x4a: {  	v60 =	vperm.xlane v24, v3;
	v29 =	vsel vm0, $0x0, v58;
	v28 =	vadd.s32 v30, v59  }
0x4b: {  	v23 =	vadd.s32 v27, v23;
	v26 =	vadd.s32 v29, v26;
	v61 =	vperm.xlane v28, v2  }
0x4c: {  	v22 =	vadd.s32 v22, v25;
	v27 =	vsel vm1, $0x0, v60;
	v62 =	vperm.xlane v26, v3  }
0x4d: {  	v24 =	vadd.s32 v27, v24;
	v27 =	vperm.xlane v23, v4;
	v29 =	vsel vm0, $0x0, v61  }
0x4e: {  	v63 =	vperm.xlane v24, v4;
	v31 =	vsel vm1, $0x0, v62;
	v28 =	vadd.s32 v29, v28  }
0x4f: {  	v27 =	vsel vm2, $0x0, v27;
	v25 =	vadd.s32 v31, v26;
	v26 =	vperm.xlane v28, v3  }
0x50: {  	v23 =	vadd.s32 v27, v23;
	v31 =	vperm.xlane v25, v4  }
0x51: {  	v23 =	vperm.xlane v23, v5;
	v29 =	vsel vm2, $0x0, v63;
	v26 =	vsel vm1, $0x0, v26  }
0x52: {  	v27 =	vsel vm2, $0x0, v31;
	v24 =	vadd.s32 v29, v24;
	v26 =	vadd.s32 v26, v28  }
0x53: {  	v25 =	vadd.s32 v27, v25;
	v24 =	vperm.xlane v24, v5;
	v27 =	vperm.xlane v26, v4  }
0x54: {  	v22 =	vadd.s32 v22, v23;
	v23 =	vperm.xlane v25, v5  }
0x55: {  	v22 =	vadd.s32 v22, v24;
	v24 =	vsel vm2, $0x0, v27  }
0x56: {  	v22 =	vadd.s32 v22, v23;
	v23 =	vadd.s32 v24, v26  }
0x57: {  	s31 =	sadd.s32 s5, s16;
	s18 =	sand.u32 $0x3FFFFF00, s18;
	s23 =	simm.s32 $0x80;
	v22 =	vadd.s32 v1, v22;
	v24 =	vimm.s32 $0x0;
	v25 =	vsub.s32 v23, v30  }
0x58: {  	s25 =	simm.s32 $0x80;
	s21 =	sshll.u32 s31, $0x8;
	s22 =	sand.u32 $0x200, s19;
	v26 =	vadd.s32 s19, v22;
	v25 =	vadd.s32 v24, v25  }
0x59: {  	s18 =	sadd.s32 $0x2000, s18;
	s26 =	sand.u32 $0x400, s25;
	s22 =	sshrl.u32 s22, $0x2;
	vm5 =	veq.s32 v30, $0x1;
	v27 =	vperm.xlane v23, v5;
	v26 =	vsub.s32 v26, v25  }
0x5a: {  	s26 =	sadd.s32 s26, s17;
	s28 =	sadd.s32 s22, s18;
	s22 =	simm.s32 $0x10;
	v23 =	vmov s21;
	v25 =	vsel vm5, v25, v26  }
0x5b: {  	s20 =	simm.s32 $0x40;
	s24 =	sadd.s32 s24, s28;
	s21 =	sand.u32 $0x70, s22;
	v24 =	vadd.s32 v24, v27;
	v25 =	vadd.s32 v23, v25  }
.LBB2_5:
0x5c: {  	p0 =	sne.s32 s23, $0x3C0  }
0x5d: {  	s26 =	sadd.s32 s21, s26;
	[tilespmem:s24+$0x0] =	vst v25;
	s24 =	smov.u32 s23;
	s23 =	sadd.s32 $0x40, s23  }
0x5e: {  	v25 =	vld [tilespmem:s26+$0x0];
	_ =	sdelay $0x4  }
0x5f: {  	v26 =	vperm.xlane v25, v0;
	_ =	sdelay $0x1  }
0x60: {  	v26 =	vsel vm4, $0x0, v26  }
0x61: {  	v26 =	vadd.s32 v25, v26  }
0x62: {  	v27 =	vperm.xlane v26, v2;
	_ =	sdelay $0x1  }
0x63: {  	v27 =	vsel vm0, $0x0, v27  }
0x64: {  	v26 =	vadd.s32 v27, v26  }
0x65: {  	v27 =	vperm.xlane v26, v3;
	_ =	sdelay $0x1  }
0x66: {  	v27 =	vsel vm1, $0x0, v27  }
0x67: {  	v26 =	vadd.s32 v27, v26  }
0x68: {  	v27 =	vperm.xlane v26, v4;
	_ =	sdelay $0x1  }
0x69: {  	v27 =	vsel vm2, $0x0, v27  }
0x6a: {  	v26 =	vadd.s32 v27, v26  }
.Ltmp1:
0x6b: {  	v27 =	vsub.s32 v26, v25;
	v26 =	vperm.xlane v26, v5;
	(pc) =	sbr.rel @p0 .LBB2_5-.Ltmp1, $4  }
0x6c: {  	v28 =	vadd.s32 s22, v22;
	s26 =	sand.u32 $0x200, s20;
	s20 =	smov.u32 s24;
	v27 =	vadd.s32 v24, v27  }
0x6d: {  	s25 =	sadd.s32 $0x80, s25;
	s24 =	sshrl.u32 s26, $0x2;
	vm5 =	veq.s32 v25, $0x1;
	v25 =	vsub.s32 v28, v27;
	v24 =	vadd.s32 v24, v26  }
0x6e: {  	s22 =	sadd.s32 $0x10, s22;
	s26 =	sand.u32 $0x400, s25;
	s24 =	sadd.s32 s24, s18;
	v25 =	vsel vm5, v27, v25  }
0x6f: {  	s26 =	sadd.s32 s26, s17;
	s24 =	sadd.s32 s21, s24;
	s21 =	sand.u32 $0x70, s22;
	v25 =	vadd.s32 v23, v25  }
0x70: {  	s17 =	sadd.s32 s21, s26;
	[tilespmem:s24+$0x0] =	vst v25  }
0x71: {  	v25 =	vld [tilespmem:s17+$0x0];
	_ =	sdelay $0x4  }
0x72: {  	v26 =	vperm.xlane v25, v0  }
0x73: {  	vm4 =	veq.s32 v1, $0x0  }
0x74: {  	v26 =	vsel vm4, $0x0, v26  }
0x75: {  	v26 =	vadd.s32 v25, v26  }
0x76: {  	v27 =	vperm.xlane v26, v2;
	_ =	sdelay $0x1  }
0x77: {  	v27 =	vsel vm0, $0x0, v27  }
0x78: {  	v26 =	vadd.s32 v27, v26  }
0x79: {  	v27 =	vperm.xlane v26, v3;
	_ =	sdelay $0x1  }
0x7a: {  	v27 =	vsel vm1, $0x0, v27  }
0x7b: {  	v26 =	vadd.s32 v27, v26  }
0x7c: {  	v27 =	vperm.xlane v26, v4;
	_ =	sdelay $0x1  }
0x7d: {  	v27 =	vsel vm2, $0x0, v27  }
0x7e: {  	v26 =	vadd.s32 v27, v26  }
0x7f: {  	v26 =	vsub.s32 v26, v25  }
0x80: {  	v22 =	vadd.s32 s22, v22;
	s31 =	sand.u32 $0x200, s20;
	v24 =	vadd.s32 v24, v26  }
0x81: {  	s17 =	sshrl.u32 s31, $0x2;
	vm4 =	veq.s32 v25, $0x1;
	v22 =	vsub.s32 v22, v24  }
0x82: {  	s17 =	sadd.s32 s17, s18;
	v22 =	vsel vm4, v24, v22  }
0x83: {  	s17 =	sadd.s32 s21, s17;
	v22 =	vadd.s32 v23, v22  }
0x84: {  	[tilespmem:s17+$0x0] =	vst v22;
	v22 =	vmov s18;
	_ =	sdelay $0x1  }
0x85: {  	p0 =	por $0x1, $0x1  }
.LBB2_7:
0x86: {  	s17 =	sshll.u32 s19, $0x7  }
0x87: {  	s18 =	sand.u32 $0x3FFFFF80, s17  }
0x88: {  	v23 =	vld.idx.msk [tilespmem:v22+s18+$0x0 ss:$0x1], $0xffff;
	_ =	sdelay $0x4  }
0x89: {  	v24 =	vshll.u32 v23, $0x1  }
0x8a: {  	v23 =	vand.u32 $0x7, v23;
	v24 =	vand.u32 $0xFFFFFFF0, v24  }
0x8b: {  	v23 =	vor.u32 v23, v24  }
0x8c: {  	v24 =	vperm.xlane v23, v8;
	_ =	sdelay $0x1  }
0x8d: {  	v25 =	vperm.xlane v23, v7;
	v24 =	vadd.s32 v9, v24;
	_ =	sdelay $0x1  }
0x8e: {  	v26 =	vperm.xlane v23, v10;
	v25 =	vadd.s32 v9, v25  }
0x8f: {  	s17 =	sshll.u32 s19, $0xE  }
0x90: {  	s19 =	sadd.s32 $0x4000, s17;
	v27 =	vperm.xlane v23, v11;
	v26 =	vadd.s32 v9, v26  }
0x91: {  	[hbm4b:s6+s2] =	stream.indirect_vreg.scatter [tilespmem:s19], [sflag:$0x1], $0x80, v24, vm3, $0xb8;
	[tilespmem:$0x14000] =	vst v63  }
0x92: {  	s20 =	sadd.s32 $0x4080, s17;
	v45 =	vperm.xlane v23, v12;
	v44 =	vadd.s32 v9, v27  }
0x93: {  	[hbm4b:s6+s2] =	stream.indirect_vreg.scatter [tilespmem:s20], [sflag:$0x1], $0x80, v25, vm3, $0xb8;
	[tilespmem:$0x14000] =	vst v63  }
0x94: {  	s21 =	sadd.s32 $0x4100, s17;
	v47 =	vperm.xlane v23, v13;
	v46 =	vadd.s32 v9, v45  }
0x95: {  	[hbm4b:s6+s2] =	stream.indirect_vreg.scatter [tilespmem:s21], [sflag:$0x1], $0x80, v26, vm3, $0xb8;
	[tilespmem:$0x14000] =	vst v63  }
0x96: {  	s22 =	sadd.s32 $0x4180, s17;
	v49 =	vperm.xlane v23, v14;
	v48 =	vadd.s32 v9, v47  }
0x97: {  	[hbm4b:s6+s2] =	stream.indirect_vreg.scatter [tilespmem:s22], [sflag:$0x1], $0x80, v44, vm3, $0xb8;
	[tilespmem:$0x14000] =	vst v63  }
0x98: {  	s23 =	sadd.s32 $0x4200, s17;
	v51 =	vperm.xlane v23, v6;
	v50 =	vadd.s32 v9, v49  }
0x99: {  	[hbm4b:s6+s2] =	stream.indirect_vreg.scatter [tilespmem:s23], [sflag:$0x1], $0x80, v46, vm3, $0xb8;
	[tilespmem:$0x14000] =	vst v63  }
0x9a: {  	s24 =	sadd.s32 $0x4280, s17;
	v53 =	vperm.xlane v23, v15;
	v52 =	vadd.s32 v9, v51  }
0x9b: {  	[hbm4b:s6+s2] =	stream.indirect_vreg.scatter [tilespmem:s24], [sflag:$0x1], $0x80, v48, vm3, $0xb8;
	[tilespmem:$0x14000] =	vst v63  }
0x9c: {  	s25 =	sadd.s32 $0x4300, s17;
	v55 =	vperm.xlane v23, v16;
	v54 =	vadd.s32 v9, v53  }
0x9d: {  	[hbm4b:s6+s2] =	stream.indirect_vreg.scatter [tilespmem:s25], [sflag:$0x1], $0x80, v50, vm3, $0xb8;
	[tilespmem:$0x14000] =	vst v63  }
0x9e: {  	s26 =	sadd.s32 $0x4380, s17;
	v57 =	vperm.xlane v23, v17;
	v56 =	vadd.s32 v9, v55  }
0x9f: {  	[hbm4b:s6+s2] =	stream.indirect_vreg.scatter [tilespmem:s26], [sflag:$0x1], $0x80, v52, vm3, $0xb8;
	[tilespmem:$0x14000] =	vst v63  }
0xa0: {  	s28 =	sadd.s32 $0x4400, s17;
	v59 =	vperm.xlane v23, v18;
	v58 =	vadd.s32 v9, v57  }
0xa1: {  	[hbm4b:s6+s2] =	stream.indirect_vreg.scatter [tilespmem:s28], [sflag:$0x1], $0x80, v54, vm3, $0xb8;
	[tilespmem:$0x14000] =	vst v63  }
0xa2: {  	s29 =	sadd.s32 $0x4480, s17;
	v61 =	vperm.xlane v23, v19;
	v60 =	vadd.s32 v9, v59  }
0xa3: {  	[hbm4b:s6+s2] =	stream.indirect_vreg.scatter [tilespmem:s29], [sflag:$0x1], $0x80, v56, vm3, $0xb8;
	[tilespmem:$0x14000] =	vst v63  }
0xa4: {  	s30 =	sadd.s32 $0x4500, s17;
	v63 =	vperm.xlane v23, v20;
	v62 =	vadd.s32 v9, v61  }
0xa5: {  	[hbm4b:s6+s2] =	stream.indirect_vreg.scatter [tilespmem:s30], [sflag:$0x1], $0x80, v58, vm3, $0xb8;
	[tilespmem:$0x14000] =	vst v63  }
0xa6: {  	s31 =	sadd.s32 $0x4580, s17;
	v31 =	vperm.xlane v23, v21;
	v30 =	vadd.s32 v9, v63  }
0xa7: {  	[hbm4b:s6+s2] =	stream.indirect_vreg.scatter [tilespmem:s31], [sflag:$0x1], $0x80, v60, vm3, $0xb8;
	[tilespmem:$0x14000] =	vst v63  }
0xa8: {  	v23 =	vperm.xlane v23, v5;
	v32 =	vadd.s32 v9, v31;
	s20 =	sadd.s32 $0x4600, s17  }
0xa9: {  	[hbm4b:s6+s2] =	stream.indirect_vreg.scatter [tilespmem:s20], [sflag:$0x1], $0x80, v62, vm3, $0xb8;
	[tilespmem:$0x14000] =	vst v63  }
0xaa: {  	v23 =	vadd.s32 v9, v23;
	s21 =	sadd.s32 $0x4680, s17  }
0xab: {  	[hbm4b:s6+s2] =	stream.indirect_vreg.scatter [tilespmem:s21], [sflag:$0x1], $0x80, v30, vm3, $0xb8;
	[tilespmem:$0x14000] =	vst v63  }
0xac: {  	s22 =	sadd.s32 $0x4700, s17  }
0xad: {  	[hbm4b:s6+s2] =	stream.indirect_vreg.scatter [tilespmem:s22], [sflag:$0x1], $0x80, v32, vm3, $0xb8;
	[tilespmem:$0x14000] =	vst v63  }
0xae: {  	s23 =	sadd.s32 $0x4780, s17  }
0xaf: {  	[hbm4b:s6+s2] =	stream.indirect_vreg.scatter [tilespmem:s23], [sflag:$0x1], $0x80, v23, vm3, $0xb8;
	[tilespmem:$0x14000] =	vst v63  }
0xb0: {  	v23 =	vld.idx.msk [tilespmem:v22+s18+$0x10 ss:$0x1], $0xffff;
	_ =	sdelay $0x4  }
0xb1: {  	v33 =	vshll.u32 v23, $0x1  }
0xb2: {  	v23 =	vand.u32 $0x7, v23;
	v24 =	vand.u32 $0xFFFFFFF0, v33  }
0xb3: {  	v23 =	vor.u32 v23, v24  }
0xb4: {  	v24 =	vperm.xlane v23, v8;
	_ =	sdelay $0x1  }
0xb5: {  	v34 =	vperm.xlane v23, v7;
	v24 =	vadd.s32 v9, v24;
	_ =	sdelay $0x1  }
0xb6: {  	v35 =	vperm.xlane v23, v10;
	v25 =	vadd.s32 v9, v34;
	_ =	sdelay $0x1  }
0xb7: {  	s24 =	sadd.s32 $0x4800, s17;
	v36 =	vperm.xlane v23, v11;
	v26 =	vadd.s32 v9, v35  }
0xb8: {  	[hbm4b:s6+s2] =	stream.indirect_vreg.scatter [tilespmem:s24], [sflag:$0x1], $0x80, v24, vm3, $0xb8;
	[tilespmem:$0x14000] =	vst v63  }
0xb9: {  	s25 =	sadd.s32 $0x4880, s17;
	v38 =	vperm.xlane v23, v12;
	v37 =	vadd.s32 v9, v36  }
0xba: {  	[hbm4b:s6+s2] =	stream.indirect_vreg.scatter [tilespmem:s25], [sflag:$0x1], $0x80, v25, vm3, $0xb8;
	[tilespmem:$0x14000] =	vst v63  }
0xbb: {  	s26 =	sadd.s32 $0x4900, s17;
	v40 =	vperm.xlane v23, v13;
	v39 =	vadd.s32 v9, v38  }
0xbc: {  	[hbm4b:s6+s2] =	stream.indirect_vreg.scatter [tilespmem:s26], [sflag:$0x1], $0x80, v26, vm3, $0xb8;
	[tilespmem:$0x14000] =	vst v63  }
0xbd: {  	s28 =	sadd.s32 $0x4980, s17;
	v42 =	vperm.xlane v23, v14;
	v41 =	vadd.s32 v9, v40  }
0xbe: {  	[hbm4b:s6+s2] =	stream.indirect_vreg.scatter [tilespmem:s28], [sflag:$0x1], $0x80, v37, vm3, $0xb8;
	[tilespmem:$0x14000] =	vst v63  }
0xbf: {  	s29 =	sadd.s32 $0x4A00, s17;
	v44 =	vperm.xlane v23, v6;
	v43 =	vadd.s32 v9, v42  }
0xc0: {  	[hbm4b:s6+s2] =	stream.indirect_vreg.scatter [tilespmem:s29], [sflag:$0x1], $0x80, v39, vm3, $0xb8;
	[tilespmem:$0x14000] =	vst v63  }
0xc1: {  	s30 =	sadd.s32 $0x4A80, s17;
	v46 =	vperm.xlane v23, v15;
	v45 =	vadd.s32 v9, v44  }
0xc2: {  	[hbm4b:s6+s2] =	stream.indirect_vreg.scatter [tilespmem:s30], [sflag:$0x1], $0x80, v41, vm3, $0xb8;
	[tilespmem:$0x14000] =	vst v63  }
0xc3: {  	s31 =	sadd.s32 $0x4B00, s17;
	v48 =	vperm.xlane v23, v16;
	v47 =	vadd.s32 v9, v46  }
0xc4: {  	[hbm4b:s6+s2] =	stream.indirect_vreg.scatter [tilespmem:s31], [sflag:$0x1], $0x80, v43, vm3, $0xb8;
	[tilespmem:$0x14000] =	vst v63  }
0xc5: {  	s20 =	sadd.s32 $0x4B80, s17;
	v50 =	vperm.xlane v23, v17;
	v49 =	vadd.s32 v9, v48  }
0xc6: {  	[hbm4b:s6+s2] =	stream.indirect_vreg.scatter [tilespmem:s20], [sflag:$0x1], $0x80, v45, vm3, $0xb8;
	[tilespmem:$0x14000] =	vst v63  }
0xc7: {  	s21 =	sadd.s32 $0x4C00, s17;
	v52 =	vperm.xlane v23, v18;
	v51 =	vadd.s32 v9, v50  }
0xc8: {  	[hbm4b:s6+s2] =	stream.indirect_vreg.scatter [tilespmem:s21], [sflag:$0x1], $0x80, v47, vm3, $0xb8;
	[tilespmem:$0x14000] =	vst v63  }
0xc9: {  	s22 =	sadd.s32 $0x4C80, s17;
	v54 =	vperm.xlane v23, v19;
	v53 =	vadd.s32 v9, v52  }
0xca: {  	[hbm4b:s6+s2] =	stream.indirect_vreg.scatter [tilespmem:s22], [sflag:$0x1], $0x80, v49, vm3, $0xb8;
	[tilespmem:$0x14000] =	vst v63  }
0xcb: {  	s23 =	sadd.s32 $0x4D00, s17;
	v56 =	vperm.xlane v23, v20;
	v55 =	vadd.s32 v9, v54  }
0xcc: {  	[hbm4b:s6+s2] =	stream.indirect_vreg.scatter [tilespmem:s23], [sflag:$0x1], $0x80, v51, vm3, $0xb8;
	[tilespmem:$0x14000] =	vst v63  }
0xcd: {  	v58 =	vperm.xlane v23, v21;
	v57 =	vadd.s32 v9, v56;
	s24 =	sadd.s32 $0x4D80, s17  }
0xce: {  	[hbm4b:s6+s2] =	stream.indirect_vreg.scatter [tilespmem:s24], [sflag:$0x1], $0x80, v53, vm3, $0xb8;
	[tilespmem:$0x14000] =	vst v63  }
0xcf: {  	v23 =	vperm.xlane v23, v5;
	v59 =	vadd.s32 v9, v58;
	s25 =	sadd.s32 $0x4E00, s17  }
0xd0: {  	[hbm4b:s6+s2] =	stream.indirect_vreg.scatter [tilespmem:s25], [sflag:$0x1], $0x80, v55, vm3, $0xb8;
	[tilespmem:$0x14000] =	vst v63  }
0xd1: {  	v23 =	vadd.s32 v9, v23;
	s26 =	sadd.s32 $0x4E80, s17  }
0xd2: {  	[hbm4b:s6+s2] =	stream.indirect_vreg.scatter [tilespmem:s26], [sflag:$0x1], $0x80, v57, vm3, $0xb8;
	[tilespmem:$0x14000] =	vst v63  }
0xd3: {  	s28 =	sadd.s32 $0x4F00, s17  }
0xd4: {  	[hbm4b:s6+s2] =	stream.indirect_vreg.scatter [tilespmem:s28], [sflag:$0x1], $0x80, v59, vm3, $0xb8;
	[tilespmem:$0x14000] =	vst v63  }
0xd5: {  	s29 =	sadd.s32 $0x4F80, s17  }
0xd6: {  	[hbm4b:s6+s2] =	stream.indirect_vreg.scatter [tilespmem:s29], [sflag:$0x1], $0x80, v23, vm3, $0xb8;
	[tilespmem:$0x14000] =	vst v63  }
0xd7: {  	v23 =	vld.idx.msk [tilespmem:v22+s18+$0x20 ss:$0x1], $0xffff;
	_ =	sdelay $0x4  }
0xd8: {  	v60 =	vshll.u32 v23, $0x1  }
0xd9: {  	v23 =	vand.u32 $0x7, v23;
	v24 =	vand.u32 $0xFFFFFFF0, v60  }
0xda: {  	v23 =	vor.u32 v23, v24  }
0xdb: {  	v24 =	vperm.xlane v23, v8;
	_ =	sdelay $0x1  }
0xdc: {  	v61 =	vperm.xlane v23, v7;
	v24 =	vadd.s32 v9, v24;
	_ =	sdelay $0x1  }
0xdd: {  	v62 =	vperm.xlane v23, v10;
	v25 =	vadd.s32 v9, v61;
	_ =	sdelay $0x1  }
0xde: {  	s30 =	sadd.s32 $0x5000, s17;
	v63 =	vperm.xlane v23, v11;
	v26 =	vadd.s32 v9, v62  }
0xdf: {  	[hbm4b:s6+s2] =	stream.indirect_vreg.scatter [tilespmem:s30], [sflag:$0x1], $0x80, v24, vm3, $0xb8;
	[tilespmem:$0x14000] =	vst v63  }
0xe0: {  	s31 =	sadd.s32 $0x5080, s17;
	v31 =	vperm.xlane v23, v12;
	v30 =	vadd.s32 v9, v63  }
0xe1: {  	[hbm4b:s6+s2] =	stream.indirect_vreg.scatter [tilespmem:s31], [sflag:$0x1], $0x80, v25, vm3, $0xb8;
	[tilespmem:$0x14000] =	vst v63  }
0xe2: {  	s20 =	sadd.s32 $0x5100, s17;
	v33 =	vperm.xlane v23, v13;
	v32 =	vadd.s32 v9, v31  }
0xe3: {  	[hbm4b:s6+s2] =	stream.indirect_vreg.scatter [tilespmem:s20], [sflag:$0x1], $0x80, v26, vm3, $0xb8;
	[tilespmem:$0x14000] =	vst v63  }
0xe4: {  	s21 =	sadd.s32 $0x5180, s17;
	v35 =	vperm.xlane v23, v14;
	v34 =	vadd.s32 v9, v33  }
0xe5: {  	[hbm4b:s6+s2] =	stream.indirect_vreg.scatter [tilespmem:s21], [sflag:$0x1], $0x80, v30, vm3, $0xb8;
	[tilespmem:$0x14000] =	vst v63  }
0xe6: {  	s22 =	sadd.s32 $0x5200, s17;
	v37 =	vperm.xlane v23, v6;
	v36 =	vadd.s32 v9, v35  }
0xe7: {  	[hbm4b:s6+s2] =	stream.indirect_vreg.scatter [tilespmem:s22], [sflag:$0x1], $0x80, v32, vm3, $0xb8;
	[tilespmem:$0x14000] =	vst v63  }
0xe8: {  	s23 =	sadd.s32 $0x5280, s17;
	v39 =	vperm.xlane v23, v15;
	v38 =	vadd.s32 v9, v37  }
0xe9: {  	[hbm4b:s6+s2] =	stream.indirect_vreg.scatter [tilespmem:s23], [sflag:$0x1], $0x80, v34, vm3, $0xb8;
	[tilespmem:$0x14000] =	vst v63  }
0xea: {  	s24 =	sadd.s32 $0x5300, s17;
	v41 =	vperm.xlane v23, v16;
	v40 =	vadd.s32 v9, v39  }
0xeb: {  	[hbm4b:s6+s2] =	stream.indirect_vreg.scatter [tilespmem:s24], [sflag:$0x1], $0x80, v36, vm3, $0xb8;
	[tilespmem:$0x14000] =	vst v63  }
0xec: {  	s25 =	sadd.s32 $0x5380, s17;
	v43 =	vperm.xlane v23, v17;
	v42 =	vadd.s32 v9, v41  }
0xed: {  	[hbm4b:s6+s2] =	stream.indirect_vreg.scatter [tilespmem:s25], [sflag:$0x1], $0x80, v38, vm3, $0xb8;
	[tilespmem:$0x14000] =	vst v63  }
0xee: {  	s26 =	sadd.s32 $0x5400, s17;
	v45 =	vperm.xlane v23, v18;
	v44 =	vadd.s32 v9, v43  }
0xef: {  	[hbm4b:s6+s2] =	stream.indirect_vreg.scatter [tilespmem:s26], [sflag:$0x1], $0x80, v40, vm3, $0xb8;
	[tilespmem:$0x14000] =	vst v63  }
0xf0: {  	s28 =	sadd.s32 $0x5480, s17;
	v47 =	vperm.xlane v23, v19;
	v46 =	vadd.s32 v9, v45  }
0xf1: {  	[hbm4b:s6+s2] =	stream.indirect_vreg.scatter [tilespmem:s28], [sflag:$0x1], $0x80, v42, vm3, $0xb8;
	[tilespmem:$0x14000] =	vst v63  }
0xf2: {  	s29 =	sadd.s32 $0x5500, s17;
	v49 =	vperm.xlane v23, v20;
	v48 =	vadd.s32 v9, v47  }
0xf3: {  	[hbm4b:s6+s2] =	stream.indirect_vreg.scatter [tilespmem:s29], [sflag:$0x1], $0x80, v44, vm3, $0xb8;
	[tilespmem:$0x14000] =	vst v63  }
0xf4: {  	v51 =	vperm.xlane v23, v21;
	v50 =	vadd.s32 v9, v49;
	s30 =	sadd.s32 $0x5580, s17  }
0xf5: {  	[hbm4b:s6+s2] =	stream.indirect_vreg.scatter [tilespmem:s30], [sflag:$0x1], $0x80, v46, vm3, $0xb8;
	[tilespmem:$0x14000] =	vst v63  }
0xf6: {  	v23 =	vperm.xlane v23, v5;
	v52 =	vadd.s32 v9, v51;
	s31 =	sadd.s32 $0x5600, s17  }
0xf7: {  	[hbm4b:s6+s2] =	stream.indirect_vreg.scatter [tilespmem:s31], [sflag:$0x1], $0x80, v48, vm3, $0xb8;
	[tilespmem:$0x14000] =	vst v63  }
0xf8: {  	v23 =	vadd.s32 v9, v23;
	s20 =	sadd.s32 $0x5680, s17  }
0xf9: {  	[hbm4b:s6+s2] =	stream.indirect_vreg.scatter [tilespmem:s20], [sflag:$0x1], $0x80, v50, vm3, $0xb8;
	[tilespmem:$0x14000] =	vst v63  }
0xfa: {  	s21 =	sadd.s32 $0x5700, s17  }
0xfb: {  	[hbm4b:s6+s2] =	stream.indirect_vreg.scatter [tilespmem:s21], [sflag:$0x1], $0x80, v52, vm3, $0xb8;
	[tilespmem:$0x14000] =	vst v63  }
0xfc: {  	s22 =	sadd.s32 $0x5780, s17  }
0xfd: {  	[hbm4b:s6+s2] =	stream.indirect_vreg.scatter [tilespmem:s22], [sflag:$0x1], $0x80, v23, vm3, $0xb8;
	[tilespmem:$0x14000] =	vst v63  }
0xfe: {  	v23 =	vld.idx.msk [tilespmem:v22+s18+$0x30 ss:$0x1], $0xffff;
	_ =	sdelay $0x4  }
0xff: {  	v53 =	vshll.u32 v23, $0x1  }
0x100: {  	v23 =	vand.u32 $0x7, v23;
	v24 =	vand.u32 $0xFFFFFFF0, v53  }
0x101: {  	v23 =	vor.u32 v23, v24  }
0x102: {  	v24 =	vperm.xlane v23, v8;
	_ =	sdelay $0x1  }
0x103: {  	v54 =	vperm.xlane v23, v7;
	v24 =	vadd.s32 v9, v24;
	_ =	sdelay $0x1  }
0x104: {  	v55 =	vperm.xlane v23, v10;
	v25 =	vadd.s32 v9, v54;
	_ =	sdelay $0x1  }
0x105: {  	s23 =	sadd.s32 $0x5800, s17;
	v56 =	vperm.xlane v23, v11;
	v26 =	vadd.s32 v9, v55  }
0x106: {  	[hbm4b:s6+s2] =	stream.indirect_vreg.scatter [tilespmem:s23], [sflag:$0x1], $0x80, v24, vm3, $0xb8;
	[tilespmem:$0x14000] =	vst v63  }
0x107: {  	s24 =	sadd.s32 $0x5880, s17;
	v58 =	vperm.xlane v23, v12;
	v57 =	vadd.s32 v9, v56  }
0x108: {  	[hbm4b:s6+s2] =	stream.indirect_vreg.scatter [tilespmem:s24], [sflag:$0x1], $0x80, v25, vm3, $0xb8;
	[tilespmem:$0x14000] =	vst v63  }
0x109: {  	s25 =	sadd.s32 $0x5900, s17;
	v60 =	vperm.xlane v23, v13;
	v59 =	vadd.s32 v9, v58  }
0x10a: {  	[hbm4b:s6+s2] =	stream.indirect_vreg.scatter [tilespmem:s25], [sflag:$0x1], $0x80, v26, vm3, $0xb8;
	[tilespmem:$0x14000] =	vst v63  }
0x10b: {  	s26 =	sadd.s32 $0x5980, s17;
	v62 =	vperm.xlane v23, v14;
	v61 =	vadd.s32 v9, v60  }
0x10c: {  	[hbm4b:s6+s2] =	stream.indirect_vreg.scatter [tilespmem:s26], [sflag:$0x1], $0x80, v57, vm3, $0xb8;
	[tilespmem:$0x14000] =	vst v63  }
0x10d: {  	s28 =	sadd.s32 $0x5A00, s17;
	v30 =	vperm.xlane v23, v6;
	v63 =	vadd.s32 v9, v62  }
0x10e: {  	[hbm4b:s6+s2] =	stream.indirect_vreg.scatter [tilespmem:s28], [sflag:$0x1], $0x80, v59, vm3, $0xb8;
	[tilespmem:$0x14000] =	vst v63  }
0x10f: {  	s29 =	sadd.s32 $0x5A80, s17;
	v32 =	vperm.xlane v23, v15;
	v31 =	vadd.s32 v9, v30  }
0x110: {  	[hbm4b:s6+s2] =	stream.indirect_vreg.scatter [tilespmem:s29], [sflag:$0x1], $0x80, v61, vm3, $0xb8;
	[tilespmem:$0x14000] =	vst v63  }
0x111: {  	s30 =	sadd.s32 $0x5B00, s17;
	v34 =	vperm.xlane v23, v16;
	v33 =	vadd.s32 v9, v32  }
0x112: {  	[hbm4b:s6+s2] =	stream.indirect_vreg.scatter [tilespmem:s30], [sflag:$0x1], $0x80, v63, vm3, $0xb8;
	[tilespmem:$0x14000] =	vst v63  }
0x113: {  	s31 =	sadd.s32 $0x5B80, s17;
	v36 =	vperm.xlane v23, v17;
	v35 =	vadd.s32 v9, v34  }
0x114: {  	[hbm4b:s6+s2] =	stream.indirect_vreg.scatter [tilespmem:s31], [sflag:$0x1], $0x80, v31, vm3, $0xb8;
	[tilespmem:$0x14000] =	vst v63  }
0x115: {  	s20 =	sadd.s32 $0x5C00, s17;
	v38 =	vperm.xlane v23, v18;
	v37 =	vadd.s32 v9, v36  }
0x116: {  	[hbm4b:s6+s2] =	stream.indirect_vreg.scatter [tilespmem:s20], [sflag:$0x1], $0x80, v33, vm3, $0xb8;
	[tilespmem:$0x14000] =	vst v63  }
0x117: {  	s21 =	sadd.s32 $0x5C80, s17;
	v40 =	vperm.xlane v23, v19;
	v39 =	vadd.s32 v9, v38  }
0x118: {  	[hbm4b:s6+s2] =	stream.indirect_vreg.scatter [tilespmem:s21], [sflag:$0x1], $0x80, v35, vm3, $0xb8;
	[tilespmem:$0x14000] =	vst v63  }
0x119: {  	s22 =	sadd.s32 $0x5D00, s17;
	v42 =	vperm.xlane v23, v20;
	v41 =	vadd.s32 v9, v40  }
0x11a: {  	[hbm4b:s6+s2] =	stream.indirect_vreg.scatter [tilespmem:s22], [sflag:$0x1], $0x80, v37, vm3, $0xb8;
	[tilespmem:$0x14000] =	vst v63  }
0x11b: {  	v44 =	vperm.xlane v23, v21;
	v43 =	vadd.s32 v9, v42;
	s23 =	sadd.s32 $0x5D80, s17  }
0x11c: {  	[hbm4b:s6+s2] =	stream.indirect_vreg.scatter [tilespmem:s23], [sflag:$0x1], $0x80, v39, vm3, $0xb8;
	[tilespmem:$0x14000] =	vst v63  }
0x11d: {  	v23 =	vperm.xlane v23, v5;
	v45 =	vadd.s32 v9, v44;
	s24 =	sadd.s32 $0x5E00, s17  }
0x11e: {  	[hbm4b:s6+s2] =	stream.indirect_vreg.scatter [tilespmem:s24], [sflag:$0x1], $0x80, v41, vm3, $0xb8;
	[tilespmem:$0x14000] =	vst v63  }
0x11f: {  	v23 =	vadd.s32 v9, v23;
	s25 =	sadd.s32 $0x5E80, s17  }
0x120: {  	[hbm4b:s6+s2] =	stream.indirect_vreg.scatter [tilespmem:s25], [sflag:$0x1], $0x80, v43, vm3, $0xb8;
	[tilespmem:$0x14000] =	vst v63  }
0x121: {  	s26 =	sadd.s32 $0x5F00, s17  }
0x122: {  	[hbm4b:s6+s2] =	stream.indirect_vreg.scatter [tilespmem:s26], [sflag:$0x1], $0x80, v45, vm3, $0xb8;
	[tilespmem:$0x14000] =	vst v63  }
0x123: {  	s28 =	sadd.s32 $0x5F80, s17  }
0x124: {  	[hbm4b:s6+s2] =	stream.indirect_vreg.scatter [tilespmem:s28], [sflag:$0x1], $0x80, v23, vm3, $0xb8;
	[tilespmem:$0x14000] =	vst v63  }
0x125: {  	v23 =	vld.idx.msk [tilespmem:v22+s18+$0x40 ss:$0x1], $0xffff;
	_ =	sdelay $0x4  }
0x126: {  	v46 =	vshll.u32 v23, $0x1  }
0x127: {  	v23 =	vand.u32 $0x7, v23;
	v24 =	vand.u32 $0xFFFFFFF0, v46  }
0x128: {  	v23 =	vor.u32 v23, v24  }
0x129: {  	v24 =	vperm.xlane v23, v8;
	_ =	sdelay $0x1  }
0x12a: {  	v47 =	vperm.xlane v23, v7;
	v24 =	vadd.s32 v9, v24;
	_ =	sdelay $0x1  }
0x12b: {  	v48 =	vperm.xlane v23, v10;
	v25 =	vadd.s32 v9, v47;
	_ =	sdelay $0x1  }
0x12c: {  	s29 =	sadd.s32 $0x6000, s17;
	v49 =	vperm.xlane v23, v11;
	v26 =	vadd.s32 v9, v48  }
0x12d: {  	[hbm4b:s6+s2] =	stream.indirect_vreg.scatter [tilespmem:s29], [sflag:$0x1], $0x80, v24, vm3, $0xb8;
	[tilespmem:$0x14000] =	vst v63  }
0x12e: {  	s30 =	sadd.s32 $0x6080, s17;
	v51 =	vperm.xlane v23, v12;
	v50 =	vadd.s32 v9, v49  }
0x12f: {  	[hbm4b:s6+s2] =	stream.indirect_vreg.scatter [tilespmem:s30], [sflag:$0x1], $0x80, v25, vm3, $0xb8;
	[tilespmem:$0x14000] =	vst v63  }
0x130: {  	s31 =	sadd.s32 $0x6100, s17;
	v53 =	vperm.xlane v23, v13;
	v52 =	vadd.s32 v9, v51  }
0x131: {  	[hbm4b:s6+s2] =	stream.indirect_vreg.scatter [tilespmem:s31], [sflag:$0x1], $0x80, v26, vm3, $0xb8;
	[tilespmem:$0x14000] =	vst v63  }
0x132: {  	s20 =	sadd.s32 $0x6180, s17;
	v55 =	vperm.xlane v23, v14;
	v54 =	vadd.s32 v9, v53  }
0x133: {  	[hbm4b:s6+s2] =	stream.indirect_vreg.scatter [tilespmem:s20], [sflag:$0x1], $0x80, v50, vm3, $0xb8;
	[tilespmem:$0x14000] =	vst v63  }
0x134: {  	s21 =	sadd.s32 $0x6200, s17;
	v57 =	vperm.xlane v23, v6;
	v56 =	vadd.s32 v9, v55  }
0x135: {  	[hbm4b:s6+s2] =	stream.indirect_vreg.scatter [tilespmem:s21], [sflag:$0x1], $0x80, v52, vm3, $0xb8;
	[tilespmem:$0x14000] =	vst v63  }
0x136: {  	s22 =	sadd.s32 $0x6280, s17;
	v59 =	vperm.xlane v23, v15;
	v58 =	vadd.s32 v9, v57  }
0x137: {  	[hbm4b:s6+s2] =	stream.indirect_vreg.scatter [tilespmem:s22], [sflag:$0x1], $0x80, v54, vm3, $0xb8;
	[tilespmem:$0x14000] =	vst v63  }
0x138: {  	s23 =	sadd.s32 $0x6300, s17;
	v61 =	vperm.xlane v23, v16;
	v60 =	vadd.s32 v9, v59  }
0x139: {  	[hbm4b:s6+s2] =	stream.indirect_vreg.scatter [tilespmem:s23], [sflag:$0x1], $0x80, v56, vm3, $0xb8;
	[tilespmem:$0x14000] =	vst v63  }
0x13a: {  	s24 =	sadd.s32 $0x6380, s17;
	v63 =	vperm.xlane v23, v17;
	v62 =	vadd.s32 v9, v61  }
0x13b: {  	[hbm4b:s6+s2] =	stream.indirect_vreg.scatter [tilespmem:s24], [sflag:$0x1], $0x80, v58, vm3, $0xb8;
	[tilespmem:$0x14000] =	vst v63  }
0x13c: {  	s25 =	sadd.s32 $0x6400, s17;
	v31 =	vperm.xlane v23, v18;
	v30 =	vadd.s32 v9, v63  }
0x13d: {  	[hbm4b:s6+s2] =	stream.indirect_vreg.scatter [tilespmem:s25], [sflag:$0x1], $0x80, v60, vm3, $0xb8;
	[tilespmem:$0x14000] =	vst v63  }
0x13e: {  	s26 =	sadd.s32 $0x6480, s17;
	v33 =	vperm.xlane v23, v19;
	v32 =	vadd.s32 v9, v31  }
0x13f: {  	[hbm4b:s6+s2] =	stream.indirect_vreg.scatter [tilespmem:s26], [sflag:$0x1], $0x80, v62, vm3, $0xb8;
	[tilespmem:$0x14000] =	vst v63  }
0x140: {  	s28 =	sadd.s32 $0x6500, s17;
	v35 =	vperm.xlane v23, v20;
	v34 =	vadd.s32 v9, v33  }
0x141: {  	[hbm4b:s6+s2] =	stream.indirect_vreg.scatter [tilespmem:s28], [sflag:$0x1], $0x80, v30, vm3, $0xb8;
	[tilespmem:$0x14000] =	vst v63  }
0x142: {  	v37 =	vperm.xlane v23, v21;
	v36 =	vadd.s32 v9, v35;
	s29 =	sadd.s32 $0x6580, s17  }
0x143: {  	[hbm4b:s6+s2] =	stream.indirect_vreg.scatter [tilespmem:s29], [sflag:$0x1], $0x80, v32, vm3, $0xb8;
	[tilespmem:$0x14000] =	vst v63  }
0x144: {  	v23 =	vperm.xlane v23, v5;
	v38 =	vadd.s32 v9, v37;
	s30 =	sadd.s32 $0x6600, s17  }
0x145: {  	[hbm4b:s6+s2] =	stream.indirect_vreg.scatter [tilespmem:s30], [sflag:$0x1], $0x80, v34, vm3, $0xb8;
	[tilespmem:$0x14000] =	vst v63  }
0x146: {  	v23 =	vadd.s32 v9, v23;
	s31 =	sadd.s32 $0x6680, s17  }
0x147: {  	[hbm4b:s6+s2] =	stream.indirect_vreg.scatter [tilespmem:s31], [sflag:$0x1], $0x80, v36, vm3, $0xb8;
	[tilespmem:$0x14000] =	vst v63  }
0x148: {  	s20 =	sadd.s32 $0x6700, s17  }
0x149: {  	[hbm4b:s6+s2] =	stream.indirect_vreg.scatter [tilespmem:s20], [sflag:$0x1], $0x80, v38, vm3, $0xb8;
	[tilespmem:$0x14000] =	vst v63  }
0x14a: {  	s21 =	sadd.s32 $0x6780, s17  }
0x14b: {  	[hbm4b:s6+s2] =	stream.indirect_vreg.scatter [tilespmem:s21], [sflag:$0x1], $0x80, v23, vm3, $0xb8;
	[tilespmem:$0x14000] =	vst v63  }
0x14c: {  	v23 =	vld.idx.msk [tilespmem:v22+s18+$0x50 ss:$0x1], $0xffff;
	_ =	sdelay $0x4  }
0x14d: {  	v39 =	vshll.u32 v23, $0x1  }
0x14e: {  	v23 =	vand.u32 $0x7, v23;
	v24 =	vand.u32 $0xFFFFFFF0, v39  }
0x14f: {  	v23 =	vor.u32 v23, v24  }
0x150: {  	v24 =	vperm.xlane v23, v8;
	_ =	sdelay $0x1  }
0x151: {  	v40 =	vperm.xlane v23, v7;
	v24 =	vadd.s32 v9, v24;
	_ =	sdelay $0x1  }
0x152: {  	v41 =	vperm.xlane v23, v10;
	v25 =	vadd.s32 v9, v40;
	_ =	sdelay $0x1  }
0x153: {  	s22 =	sadd.s32 $0x6800, s17;
	v42 =	vperm.xlane v23, v11;
	v26 =	vadd.s32 v9, v41  }
0x154: {  	[hbm4b:s6+s2] =	stream.indirect_vreg.scatter [tilespmem:s22], [sflag:$0x1], $0x80, v24, vm3, $0xb8;
	[tilespmem:$0x14000] =	vst v63  }
0x155: {  	s23 =	sadd.s32 $0x6880, s17;
	v44 =	vperm.xlane v23, v12;
	v43 =	vadd.s32 v9, v42  }
0x156: {  	[hbm4b:s6+s2] =	stream.indirect_vreg.scatter [tilespmem:s23], [sflag:$0x1], $0x80, v25, vm3, $0xb8;
	[tilespmem:$0x14000] =	vst v63  }
0x157: {  	s24 =	sadd.s32 $0x6900, s17;
	v46 =	vperm.xlane v23, v13;
	v45 =	vadd.s32 v9, v44  }
0x158: {  	[hbm4b:s6+s2] =	stream.indirect_vreg.scatter [tilespmem:s24], [sflag:$0x1], $0x80, v26, vm3, $0xb8;
	[tilespmem:$0x14000] =	vst v63  }
0x159: {  	s25 =	sadd.s32 $0x6980, s17;
	v48 =	vperm.xlane v23, v14;
	v47 =	vadd.s32 v9, v46  }
0x15a: {  	[hbm4b:s6+s2] =	stream.indirect_vreg.scatter [tilespmem:s25], [sflag:$0x1], $0x80, v43, vm3, $0xb8;
	[tilespmem:$0x14000] =	vst v63  }
0x15b: {  	s26 =	sadd.s32 $0x6A00, s17;
	v50 =	vperm.xlane v23, v6;
	v49 =	vadd.s32 v9, v48  }
0x15c: {  	[hbm4b:s6+s2] =	stream.indirect_vreg.scatter [tilespmem:s26], [sflag:$0x1], $0x80, v45, vm3, $0xb8;
	[tilespmem:$0x14000] =	vst v63  }
0x15d: {  	s28 =	sadd.s32 $0x6A80, s17;
	v52 =	vperm.xlane v23, v15;
	v51 =	vadd.s32 v9, v50  }
0x15e: {  	[hbm4b:s6+s2] =	stream.indirect_vreg.scatter [tilespmem:s28], [sflag:$0x1], $0x80, v47, vm3, $0xb8;
	[tilespmem:$0x14000] =	vst v63  }
0x15f: {  	s29 =	sadd.s32 $0x6B00, s17;
	v54 =	vperm.xlane v23, v16;
	v53 =	vadd.s32 v9, v52  }
0x160: {  	[hbm4b:s6+s2] =	stream.indirect_vreg.scatter [tilespmem:s29], [sflag:$0x1], $0x80, v49, vm3, $0xb8;
	[tilespmem:$0x14000] =	vst v63  }
0x161: {  	s30 =	sadd.s32 $0x6B80, s17;
	v56 =	vperm.xlane v23, v17;
	v55 =	vadd.s32 v9, v54  }
0x162: {  	[hbm4b:s6+s2] =	stream.indirect_vreg.scatter [tilespmem:s30], [sflag:$0x1], $0x80, v51, vm3, $0xb8;
	[tilespmem:$0x14000] =	vst v63  }
0x163: {  	s31 =	sadd.s32 $0x6C00, s17;
	v58 =	vperm.xlane v23, v18;
	v57 =	vadd.s32 v9, v56  }
0x164: {  	[hbm4b:s6+s2] =	stream.indirect_vreg.scatter [tilespmem:s31], [sflag:$0x1], $0x80, v53, vm3, $0xb8;
	[tilespmem:$0x14000] =	vst v63  }
0x165: {  	s20 =	sadd.s32 $0x6C80, s17;
	v60 =	vperm.xlane v23, v19;
	v59 =	vadd.s32 v9, v58  }
0x166: {  	[hbm4b:s6+s2] =	stream.indirect_vreg.scatter [tilespmem:s20], [sflag:$0x1], $0x80, v55, vm3, $0xb8;
	[tilespmem:$0x14000] =	vst v63  }
0x167: {  	s21 =	sadd.s32 $0x6D00, s17;
	v62 =	vperm.xlane v23, v20;
	v61 =	vadd.s32 v9, v60  }
0x168: {  	[hbm4b:s6+s2] =	stream.indirect_vreg.scatter [tilespmem:s21], [sflag:$0x1], $0x80, v57, vm3, $0xb8;
	[tilespmem:$0x14000] =	vst v63  }
0x169: {  	v30 =	vperm.xlane v23, v21;
	v63 =	vadd.s32 v9, v62;
	s22 =	sadd.s32 $0x6D80, s17  }
0x16a: {  	[hbm4b:s6+s2] =	stream.indirect_vreg.scatter [tilespmem:s22], [sflag:$0x1], $0x80, v59, vm3, $0xb8;
	[tilespmem:$0x14000] =	vst v63  }
0x16b: {  	v23 =	vperm.xlane v23, v5;
	v31 =	vadd.s32 v9, v30;
	s23 =	sadd.s32 $0x6E00, s17  }
0x16c: {  	[hbm4b:s6+s2] =	stream.indirect_vreg.scatter [tilespmem:s23], [sflag:$0x1], $0x80, v61, vm3, $0xb8;
	[tilespmem:$0x14000] =	vst v63  }
0x16d: {  	v23 =	vadd.s32 v9, v23;
	s24 =	sadd.s32 $0x6E80, s17  }
0x16e: {  	[hbm4b:s6+s2] =	stream.indirect_vreg.scatter [tilespmem:s24], [sflag:$0x1], $0x80, v63, vm3, $0xb8;
	[tilespmem:$0x14000] =	vst v63  }
0x16f: {  	s25 =	sadd.s32 $0x6F00, s17  }
0x170: {  	[hbm4b:s6+s2] =	stream.indirect_vreg.scatter [tilespmem:s25], [sflag:$0x1], $0x80, v31, vm3, $0xb8;
	[tilespmem:$0x14000] =	vst v63  }
0x171: {  	s26 =	sadd.s32 $0x6F80, s17  }
0x172: {  	[hbm4b:s6+s2] =	stream.indirect_vreg.scatter [tilespmem:s26], [sflag:$0x1], $0x80, v23, vm3, $0xb8;
	[tilespmem:$0x14000] =	vst v63  }
0x173: {  	v23 =	vld.idx.msk [tilespmem:v22+s18+$0x60 ss:$0x1], $0xffff;
	_ =	sdelay $0x4  }
0x174: {  	v32 =	vshll.u32 v23, $0x1  }
0x175: {  	v23 =	vand.u32 $0x7, v23;
	v24 =	vand.u32 $0xFFFFFFF0, v32  }
0x176: {  	v23 =	vor.u32 v23, v24  }
0x177: {  	v24 =	vperm.xlane v23, v8;
	_ =	sdelay $0x1  }
0x178: {  	v33 =	vperm.xlane v23, v7;
	v24 =	vadd.s32 v9, v24;
	_ =	sdelay $0x1  }
0x179: {  	v34 =	vperm.xlane v23, v10;
	v25 =	vadd.s32 v9, v33;
	_ =	sdelay $0x1  }
0x17a: {  	s28 =	sadd.s32 $0x7000, s17;
	v35 =	vperm.xlane v23, v11;
	v26 =	vadd.s32 v9, v34  }
0x17b: {  	[hbm4b:s6+s2] =	stream.indirect_vreg.scatter [tilespmem:s28], [sflag:$0x1], $0x80, v24, vm3, $0xb8;
	[tilespmem:$0x14000] =	vst v63  }
0x17c: {  	s29 =	sadd.s32 $0x7080, s17;
	v37 =	vperm.xlane v23, v12;
	v36 =	vadd.s32 v9, v35  }
0x17d: {  	[hbm4b:s6+s2] =	stream.indirect_vreg.scatter [tilespmem:s29], [sflag:$0x1], $0x80, v25, vm3, $0xb8;
	[tilespmem:$0x14000] =	vst v63  }
0x17e: {  	s30 =	sadd.s32 $0x7100, s17;
	v39 =	vperm.xlane v23, v13;
	v38 =	vadd.s32 v9, v37  }
0x17f: {  	[hbm4b:s6+s2] =	stream.indirect_vreg.scatter [tilespmem:s30], [sflag:$0x1], $0x80, v26, vm3, $0xb8;
	[tilespmem:$0x14000] =	vst v63  }
0x180: {  	s31 =	sadd.s32 $0x7180, s17;
	v41 =	vperm.xlane v23, v14;
	v40 =	vadd.s32 v9, v39  }
0x181: {  	[hbm4b:s6+s2] =	stream.indirect_vreg.scatter [tilespmem:s31], [sflag:$0x1], $0x80, v36, vm3, $0xb8;
	[tilespmem:$0x14000] =	vst v63  }
0x182: {  	s20 =	sadd.s32 $0x7200, s17;
	v43 =	vperm.xlane v23, v6;
	v42 =	vadd.s32 v9, v41  }
0x183: {  	[hbm4b:s6+s2] =	stream.indirect_vreg.scatter [tilespmem:s20], [sflag:$0x1], $0x80, v38, vm3, $0xb8;
	[tilespmem:$0x14000] =	vst v63  }
0x184: {  	s21 =	sadd.s32 $0x7280, s17;
	v45 =	vperm.xlane v23, v15;
	v44 =	vadd.s32 v9, v43  }
0x185: {  	[hbm4b:s6+s2] =	stream.indirect_vreg.scatter [tilespmem:s21], [sflag:$0x1], $0x80, v40, vm3, $0xb8;
	[tilespmem:$0x14000] =	vst v63  }
0x186: {  	s22 =	sadd.s32 $0x7300, s17;
	v47 =	vperm.xlane v23, v16;
	v46 =	vadd.s32 v9, v45  }
0x187: {  	[hbm4b:s6+s2] =	stream.indirect_vreg.scatter [tilespmem:s22], [sflag:$0x1], $0x80, v42, vm3, $0xb8;
	[tilespmem:$0x14000] =	vst v63  }
0x188: {  	s23 =	sadd.s32 $0x7380, s17;
	v49 =	vperm.xlane v23, v17;
	v48 =	vadd.s32 v9, v47  }
0x189: {  	[hbm4b:s6+s2] =	stream.indirect_vreg.scatter [tilespmem:s23], [sflag:$0x1], $0x80, v44, vm3, $0xb8;
	[tilespmem:$0x14000] =	vst v63  }
0x18a: {  	s24 =	sadd.s32 $0x7400, s17;
	v51 =	vperm.xlane v23, v18;
	v50 =	vadd.s32 v9, v49  }
0x18b: {  	[hbm4b:s6+s2] =	stream.indirect_vreg.scatter [tilespmem:s24], [sflag:$0x1], $0x80, v46, vm3, $0xb8;
	[tilespmem:$0x14000] =	vst v63  }
0x18c: {  	s25 =	sadd.s32 $0x7480, s17;
	v53 =	vperm.xlane v23, v19;
	v52 =	vadd.s32 v9, v51  }
0x18d: {  	[hbm4b:s6+s2] =	stream.indirect_vreg.scatter [tilespmem:s25], [sflag:$0x1], $0x80, v48, vm3, $0xb8;
	[tilespmem:$0x14000] =	vst v63  }
0x18e: {  	s26 =	sadd.s32 $0x7500, s17;
	v55 =	vperm.xlane v23, v20;
	v54 =	vadd.s32 v9, v53  }
0x18f: {  	[hbm4b:s6+s2] =	stream.indirect_vreg.scatter [tilespmem:s26], [sflag:$0x1], $0x80, v50, vm3, $0xb8;
	[tilespmem:$0x14000] =	vst v63  }
0x190: {  	v57 =	vperm.xlane v23, v21;
	v56 =	vadd.s32 v9, v55;
	s28 =	sadd.s32 $0x7580, s17  }
0x191: {  	[hbm4b:s6+s2] =	stream.indirect_vreg.scatter [tilespmem:s28], [sflag:$0x1], $0x80, v52, vm3, $0xb8;
	[tilespmem:$0x14000] =	vst v63  }
0x192: {  	v23 =	vperm.xlane v23, v5;
	v58 =	vadd.s32 v9, v57;
	s29 =	sadd.s32 $0x7600, s17  }
0x193: {  	[hbm4b:s6+s2] =	stream.indirect_vreg.scatter [tilespmem:s29], [sflag:$0x1], $0x80, v54, vm3, $0xb8;
	[tilespmem:$0x14000] =	vst v63  }
0x194: {  	v23 =	vadd.s32 v9, v23;
	s30 =	sadd.s32 $0x7680, s17  }
0x195: {  	[hbm4b:s6+s2] =	stream.indirect_vreg.scatter [tilespmem:s30], [sflag:$0x1], $0x80, v56, vm3, $0xb8;
	[tilespmem:$0x14000] =	vst v63  }
0x196: {  	s31 =	sadd.s32 $0x7700, s17  }
0x197: {  	[hbm4b:s6+s2] =	stream.indirect_vreg.scatter [tilespmem:s31], [sflag:$0x1], $0x80, v58, vm3, $0xb8;
	[tilespmem:$0x14000] =	vst v63  }
0x198: {  	s20 =	sadd.s32 $0x7780, s17  }
0x199: {  	[hbm4b:s6+s2] =	stream.indirect_vreg.scatter [tilespmem:s20], [sflag:$0x1], $0x80, v23, vm3, $0xb8;
	[tilespmem:$0x14000] =	vst v63  }
0x19a: {  	v23 =	vld.idx.msk [tilespmem:v22+s18+$0x70 ss:$0x1], $0xffff;
	_ =	sdelay $0x4  }
0x19b: {  	v59 =	vshll.u32 v23, $0x1  }
0x19c: {  	v23 =	vand.u32 $0x7, v23;
	v24 =	vand.u32 $0xFFFFFFF0, v59  }
0x19d: {  	v23 =	vor.u32 v23, v24  }
0x19e: {  	v24 =	vperm.xlane v23, v8;
	_ =	sdelay $0x1  }
0x19f: {  	v60 =	vperm.xlane v23, v7;
	v24 =	vadd.s32 v9, v24;
	_ =	sdelay $0x1  }
0x1a0: {  	v61 =	vperm.xlane v23, v10;
	v25 =	vadd.s32 v9, v60;
	_ =	sdelay $0x1  }
0x1a1: {  	s21 =	sadd.s32 $0x7800, s17;
	v62 =	vperm.xlane v23, v11;
	v26 =	vadd.s32 v9, v61  }
0x1a2: {  	[hbm4b:s6+s2] =	stream.indirect_vreg.scatter [tilespmem:s21], [sflag:$0x1], $0x80, v24, vm3, $0xb8;
	[tilespmem:$0x14000] =	vst v63  }
0x1a3: {  	s22 =	sadd.s32 $0x7880, s17;
	v30 =	vperm.xlane v23, v12;
	v63 =	vadd.s32 v9, v62  }
0x1a4: {  	[hbm4b:s6+s2] =	stream.indirect_vreg.scatter [tilespmem:s22], [sflag:$0x1], $0x80, v25, vm3, $0xb8;
	[tilespmem:$0x14000] =	vst v63  }
0x1a5: {  	s23 =	sadd.s32 $0x7900, s17;
	v32 =	vperm.xlane v23, v13;
	v31 =	vadd.s32 v9, v30  }
0x1a6: {  	[hbm4b:s6+s2] =	stream.indirect_vreg.scatter [tilespmem:s23], [sflag:$0x1], $0x80, v26, vm3, $0xb8;
	[tilespmem:$0x14000] =	vst v63  }
0x1a7: {  	s24 =	sadd.s32 $0x7980, s17;
	v34 =	vperm.xlane v23, v14;
	v33 =	vadd.s32 v9, v32  }
0x1a8: {  	[hbm4b:s6+s2] =	stream.indirect_vreg.scatter [tilespmem:s24], [sflag:$0x1], $0x80, v63, vm3, $0xb8;
	[tilespmem:$0x14000] =	vst v63  }
0x1a9: {  	s25 =	sadd.s32 $0x7A00, s17;
	v36 =	vperm.xlane v23, v6;
	v35 =	vadd.s32 v9, v34  }
0x1aa: {  	[hbm4b:s6+s2] =	stream.indirect_vreg.scatter [tilespmem:s25], [sflag:$0x1], $0x80, v31, vm3, $0xb8;
	[tilespmem:$0x14000] =	vst v63  }
0x1ab: {  	s26 =	sadd.s32 $0x7A80, s17;
	v38 =	vperm.xlane v23, v15;
	v37 =	vadd.s32 v9, v36  }
0x1ac: {  	[hbm4b:s6+s2] =	stream.indirect_vreg.scatter [tilespmem:s26], [sflag:$0x1], $0x80, v33, vm3, $0xb8;
	[tilespmem:$0x14000] =	vst v63  }
0x1ad: {  	s28 =	sadd.s32 $0x7B00, s17;
	v40 =	vperm.xlane v23, v16;
	v39 =	vadd.s32 v9, v38  }
0x1ae: {  	[hbm4b:s6+s2] =	stream.indirect_vreg.scatter [tilespmem:s28], [sflag:$0x1], $0x80, v35, vm3, $0xb8;
	[tilespmem:$0x14000] =	vst v63  }
0x1af: {  	s29 =	sadd.s32 $0x7B80, s17;
	v42 =	vperm.xlane v23, v17;
	v41 =	vadd.s32 v9, v40  }
0x1b0: {  	[hbm4b:s6+s2] =	stream.indirect_vreg.scatter [tilespmem:s29], [sflag:$0x1], $0x80, v37, vm3, $0xb8;
	[tilespmem:$0x14000] =	vst v63  }
0x1b1: {  	s30 =	sadd.s32 $0x7C00, s17;
	v44 =	vperm.xlane v23, v18;
	v43 =	vadd.s32 v9, v42  }
0x1b2: {  	[hbm4b:s6+s2] =	stream.indirect_vreg.scatter [tilespmem:s30], [sflag:$0x1], $0x80, v39, vm3, $0xb8;
	[tilespmem:$0x14000] =	vst v63  }
0x1b3: {  	s31 =	sadd.s32 $0x7C80, s17;
	v46 =	vperm.xlane v23, v19;
	v45 =	vadd.s32 v9, v44  }
0x1b4: {  	[hbm4b:s6+s2] =	stream.indirect_vreg.scatter [tilespmem:s31], [sflag:$0x1], $0x80, v41, vm3, $0xb8;
	[tilespmem:$0x14000] =	vst v63  }
0x1b5: {  	s20 =	sadd.s32 $0x7D00, s17;
	v48 =	vperm.xlane v23, v20;
	v47 =	vadd.s32 v9, v46  }
0x1b6: {  	[hbm4b:s6+s2] =	stream.indirect_vreg.scatter [tilespmem:s20], [sflag:$0x1], $0x80, v43, vm3, $0xb8;
	[tilespmem:$0x14000] =	vst v63  }
0x1b7: {  	v50 =	vperm.xlane v23, v21;
	v49 =	vadd.s32 v9, v48;
	s21 =	sadd.s32 $0x7D80, s17  }
0x1b8: {  	[hbm4b:s6+s2] =	stream.indirect_vreg.scatter [tilespmem:s21], [sflag:$0x1], $0x80, v45, vm3, $0xb8;
	[tilespmem:$0x14000] =	vst v63  }
0x1b9: {  	v23 =	vperm.xlane v23, v5;
	v51 =	vadd.s32 v9, v50;
	s22 =	sadd.s32 $0x7E00, s17  }
0x1ba: {  	[hbm4b:s6+s2] =	stream.indirect_vreg.scatter [tilespmem:s22], [sflag:$0x1], $0x80, v47, vm3, $0xb8;
	[tilespmem:$0x14000] =	vst v63  }
0x1bb: {  	v23 =	vadd.s32 v9, v23;
	s23 =	sadd.s32 $0x7E80, s17  }
0x1bc: {  	[hbm4b:s6+s2] =	stream.indirect_vreg.scatter [tilespmem:s23], [sflag:$0x1], $0x80, v49, vm3, $0xb8;
	[tilespmem:$0x14000] =	vst v63  }
0x1bd: {  	s24 =	sadd.s32 $0x7F00, s17  }
0x1be: {  	[hbm4b:s6+s2] =	stream.indirect_vreg.scatter [tilespmem:s24], [sflag:$0x1], $0x80, v51, vm3, $0xb8;
	[tilespmem:$0x14000] =	vst v63  }
0x1bf: {  	s25 =	sadd.s32 $0x7F80, s17  }
0x1c0: {  	[hbm4b:s6+s2] =	stream.indirect_vreg.scatter [tilespmem:s25], [sflag:$0x1], $0x80, v23, vm3, $0xb8;
	[tilespmem:$0x14000] =	vst v63  }
0x1c1: {  	v23 =	vld.idx.msk [tilespmem:v22+s18+$0x0 ss:$0x1], $0xffff;
	_ =	sdelay $0x4  }
0x1c2: {  	v52 =	vshll.u32 v23, $0x1  }
0x1c3: {  	v23 =	vand.u32 $0x7, v23;
	v24 =	vand.u32 $0xFFFFFFF0, v52  }
0x1c4: {  	v23 =	vor.u32 v23, v24  }
0x1c5: {  	v24 =	vperm.xlane v23, v8;
	_ =	sdelay $0x1  }
0x1c6: {  	v53 =	vperm.xlane v23, v7;
	v24 =	vadd.s32 v9, v24;
	_ =	sdelay $0x1  }
0x1c7: {  	v54 =	vperm.xlane v23, v10;
	v25 =	vadd.s32 v9, v53;
	_ =	sdelay $0x1  }
0x1c8: {  	s26 =	sadd.s32 $0xC000, s17;
	v55 =	vperm.xlane v23, v11;
	v26 =	vadd.s32 v9, v54  }
0x1c9: {  	[hbm4b:s8+s2] =	stream.indirect_vreg.scatter [tilespmem:s26], [sflag:$0x2], $0x80, v24, vm3, $0xb8;
	[tilespmem:$0x14000] =	vst v63  }
0x1ca: {  	s28 =	sadd.s32 $0xC080, s17;
	v57 =	vperm.xlane v23, v12;
	v56 =	vadd.s32 v9, v55  }
0x1cb: {  	[hbm4b:s8+s2] =	stream.indirect_vreg.scatter [tilespmem:s28], [sflag:$0x2], $0x80, v25, vm3, $0xb8;
	[tilespmem:$0x14000] =	vst v63  }
0x1cc: {  	s29 =	sadd.s32 $0xC100, s17;
	v59 =	vperm.xlane v23, v13;
	v58 =	vadd.s32 v9, v57  }
0x1cd: {  	[hbm4b:s8+s2] =	stream.indirect_vreg.scatter [tilespmem:s29], [sflag:$0x2], $0x80, v26, vm3, $0xb8;
	[tilespmem:$0x14000] =	vst v63  }
0x1ce: {  	s30 =	sadd.s32 $0xC180, s17;
	v61 =	vperm.xlane v23, v14;
	v60 =	vadd.s32 v9, v59  }
0x1cf: {  	[hbm4b:s8+s2] =	stream.indirect_vreg.scatter [tilespmem:s30], [sflag:$0x2], $0x80, v56, vm3, $0xb8;
	[tilespmem:$0x14000] =	vst v63  }
0x1d0: {  	s31 =	sadd.s32 $0xC200, s17;
	v63 =	vperm.xlane v23, v6;
	v62 =	vadd.s32 v9, v61  }
0x1d1: {  	[hbm4b:s8+s2] =	stream.indirect_vreg.scatter [tilespmem:s31], [sflag:$0x2], $0x80, v58, vm3, $0xb8;
	[tilespmem:$0x14000] =	vst v63  }
0x1d2: {  	s20 =	sadd.s32 $0xC280, s17;
	v31 =	vperm.xlane v23, v15;
	v30 =	vadd.s32 v9, v63  }
0x1d3: {  	[hbm4b:s8+s2] =	stream.indirect_vreg.scatter [tilespmem:s20], [sflag:$0x2], $0x80, v60, vm3, $0xb8;
	[tilespmem:$0x14000] =	vst v63  }
0x1d4: {  	s21 =	sadd.s32 $0xC300, s17;
	v33 =	vperm.xlane v23, v16;
	v32 =	vadd.s32 v9, v31  }
0x1d5: {  	[hbm4b:s8+s2] =	stream.indirect_vreg.scatter [tilespmem:s21], [sflag:$0x2], $0x80, v62, vm3, $0xb8;
	[tilespmem:$0x14000] =	vst v63  }
0x1d6: {  	s22 =	sadd.s32 $0xC380, s17;
	v35 =	vperm.xlane v23, v17;
	v34 =	vadd.s32 v9, v33  }
0x1d7: {  	[hbm4b:s8+s2] =	stream.indirect_vreg.scatter [tilespmem:s22], [sflag:$0x2], $0x80, v30, vm3, $0xb8;
	[tilespmem:$0x14000] =	vst v63  }
0x1d8: {  	s23 =	sadd.s32 $0xC400, s17;
	v37 =	vperm.xlane v23, v18;
	v36 =	vadd.s32 v9, v35  }
0x1d9: {  	[hbm4b:s8+s2] =	stream.indirect_vreg.scatter [tilespmem:s23], [sflag:$0x2], $0x80, v32, vm3, $0xb8;
	[tilespmem:$0x14000] =	vst v63  }
0x1da: {  	s24 =	sadd.s32 $0xC480, s17;
	v39 =	vperm.xlane v23, v19;
	v38 =	vadd.s32 v9, v37  }
0x1db: {  	[hbm4b:s8+s2] =	stream.indirect_vreg.scatter [tilespmem:s24], [sflag:$0x2], $0x80, v34, vm3, $0xb8;
	[tilespmem:$0x14000] =	vst v63  }
0x1dc: {  	s25 =	sadd.s32 $0xC500, s17;
	v41 =	vperm.xlane v23, v20;
	v40 =	vadd.s32 v9, v39  }
0x1dd: {  	[hbm4b:s8+s2] =	stream.indirect_vreg.scatter [tilespmem:s25], [sflag:$0x2], $0x80, v36, vm3, $0xb8;
	[tilespmem:$0x14000] =	vst v63  }
0x1de: {  	v43 =	vperm.xlane v23, v21;
	v42 =	vadd.s32 v9, v41;
	s26 =	sadd.s32 $0xC580, s17  }
0x1df: {  	[hbm4b:s8+s2] =	stream.indirect_vreg.scatter [tilespmem:s26], [sflag:$0x2], $0x80, v38, vm3, $0xb8;
	[tilespmem:$0x14000] =	vst v63  }
0x1e0: {  	v23 =	vperm.xlane v23, v5;
	v44 =	vadd.s32 v9, v43;
	s28 =	sadd.s32 $0xC600, s17  }
0x1e1: {  	[hbm4b:s8+s2] =	stream.indirect_vreg.scatter [tilespmem:s28], [sflag:$0x2], $0x80, v40, vm3, $0xb8;
	[tilespmem:$0x14000] =	vst v63  }
0x1e2: {  	v23 =	vadd.s32 v9, v23;
	s29 =	sadd.s32 $0xC680, s17  }
0x1e3: {  	[hbm4b:s8+s2] =	stream.indirect_vreg.scatter [tilespmem:s29], [sflag:$0x2], $0x80, v42, vm3, $0xb8;
	[tilespmem:$0x14000] =	vst v63  }
0x1e4: {  	s30 =	sadd.s32 $0xC700, s17  }
0x1e5: {  	[hbm4b:s8+s2] =	stream.indirect_vreg.scatter [tilespmem:s30], [sflag:$0x2], $0x80, v44, vm3, $0xb8;
	[tilespmem:$0x14000] =	vst v63  }
0x1e6: {  	s31 =	sadd.s32 $0xC780, s17  }
0x1e7: {  	[hbm4b:s8+s2] =	stream.indirect_vreg.scatter [tilespmem:s31], [sflag:$0x2], $0x80, v23, vm3, $0xb8;
	[tilespmem:$0x14000] =	vst v63  }
0x1e8: {  	v23 =	vld.idx.msk [tilespmem:v22+s18+$0x10 ss:$0x1], $0xffff;
	_ =	sdelay $0x4  }
0x1e9: {  	v45 =	vshll.u32 v23, $0x1  }
0x1ea: {  	v23 =	vand.u32 $0x7, v23;
	v24 =	vand.u32 $0xFFFFFFF0, v45  }
0x1eb: {  	v23 =	vor.u32 v23, v24  }
0x1ec: {  	v24 =	vperm.xlane v23, v8;
	_ =	sdelay $0x1  }
0x1ed: {  	v46 =	vperm.xlane v23, v7;
	v24 =	vadd.s32 v9, v24;
	_ =	sdelay $0x1  }
0x1ee: {  	v47 =	vperm.xlane v23, v10;
	v25 =	vadd.s32 v9, v46;
	_ =	sdelay $0x1  }
0x1ef: {  	s20 =	sadd.s32 $0xC800, s17;
	v48 =	vperm.xlane v23, v11;
	v26 =	vadd.s32 v9, v47  }
0x1f0: {  	[hbm4b:s8+s2] =	stream.indirect_vreg.scatter [tilespmem:s20], [sflag:$0x2], $0x80, v24, vm3, $0xb8;
	[tilespmem:$0x14000] =	vst v63  }
0x1f1: {  	s21 =	sadd.s32 $0xC880, s17;
	v50 =	vperm.xlane v23, v12;
	v49 =	vadd.s32 v9, v48  }
0x1f2: {  	[hbm4b:s8+s2] =	stream.indirect_vreg.scatter [tilespmem:s21], [sflag:$0x2], $0x80, v25, vm3, $0xb8;
	[tilespmem:$0x14000] =	vst v63  }
0x1f3: {  	s22 =	sadd.s32 $0xC900, s17;
	v52 =	vperm.xlane v23, v13;
	v51 =	vadd.s32 v9, v50  }
0x1f4: {  	[hbm4b:s8+s2] =	stream.indirect_vreg.scatter [tilespmem:s22], [sflag:$0x2], $0x80, v26, vm3, $0xb8;
	[tilespmem:$0x14000] =	vst v63  }
0x1f5: {  	s23 =	sadd.s32 $0xC980, s17;
	v54 =	vperm.xlane v23, v14;
	v53 =	vadd.s32 v9, v52  }
0x1f6: {  	[hbm4b:s8+s2] =	stream.indirect_vreg.scatter [tilespmem:s23], [sflag:$0x2], $0x80, v49, vm3, $0xb8;
	[tilespmem:$0x14000] =	vst v63  }
0x1f7: {  	s24 =	sadd.s32 $0xCA00, s17;
	v56 =	vperm.xlane v23, v6;
	v55 =	vadd.s32 v9, v54  }
0x1f8: {  	[hbm4b:s8+s2] =	stream.indirect_vreg.scatter [tilespmem:s24], [sflag:$0x2], $0x80, v51, vm3, $0xb8;
	[tilespmem:$0x14000] =	vst v63  }
0x1f9: {  	s25 =	sadd.s32 $0xCA80, s17;
	v58 =	vperm.xlane v23, v15;
	v57 =	vadd.s32 v9, v56  }
0x1fa: {  	[hbm4b:s8+s2] =	stream.indirect_vreg.scatter [tilespmem:s25], [sflag:$0x2], $0x80, v53, vm3, $0xb8;
	[tilespmem:$0x14000] =	vst v63  }
0x1fb: {  	s26 =	sadd.s32 $0xCB00, s17;
	v60 =	vperm.xlane v23, v16;
	v59 =	vadd.s32 v9, v58  }
0x1fc: {  	[hbm4b:s8+s2] =	stream.indirect_vreg.scatter [tilespmem:s26], [sflag:$0x2], $0x80, v55, vm3, $0xb8;
	[tilespmem:$0x14000] =	vst v63  }
0x1fd: {  	s28 =	sadd.s32 $0xCB80, s17;
	v62 =	vperm.xlane v23, v17;
	v61 =	vadd.s32 v9, v60  }
0x1fe: {  	[hbm4b:s8+s2] =	stream.indirect_vreg.scatter [tilespmem:s28], [sflag:$0x2], $0x80, v57, vm3, $0xb8;
	[tilespmem:$0x14000] =	vst v63  }
0x1ff: {  	s29 =	sadd.s32 $0xCC00, s17;
	v30 =	vperm.xlane v23, v18;
	v63 =	vadd.s32 v9, v62  }
0x200: {  	[hbm4b:s8+s2] =	stream.indirect_vreg.scatter [tilespmem:s29], [sflag:$0x2], $0x80, v59, vm3, $0xb8;
	[tilespmem:$0x14000] =	vst v63  }
0x201: {  	s30 =	sadd.s32 $0xCC80, s17;
	v32 =	vperm.xlane v23, v19;
	v31 =	vadd.s32 v9, v30  }
0x202: {  	[hbm4b:s8+s2] =	stream.indirect_vreg.scatter [tilespmem:s30], [sflag:$0x2], $0x80, v61, vm3, $0xb8;
	[tilespmem:$0x14000] =	vst v63  }
0x203: {  	s31 =	sadd.s32 $0xCD00, s17;
	v34 =	vperm.xlane v23, v20;
	v33 =	vadd.s32 v9, v32  }
0x204: {  	[hbm4b:s8+s2] =	stream.indirect_vreg.scatter [tilespmem:s31], [sflag:$0x2], $0x80, v63, vm3, $0xb8;
	[tilespmem:$0x14000] =	vst v63  }
0x205: {  	v36 =	vperm.xlane v23, v21;
	v35 =	vadd.s32 v9, v34;
	s20 =	sadd.s32 $0xCD80, s17  }
0x206: {  	[hbm4b:s8+s2] =	stream.indirect_vreg.scatter [tilespmem:s20], [sflag:$0x2], $0x80, v31, vm3, $0xb8;
	[tilespmem:$0x14000] =	vst v63  }
0x207: {  	v23 =	vperm.xlane v23, v5;
	v37 =	vadd.s32 v9, v36;
	s21 =	sadd.s32 $0xCE00, s17  }
0x208: {  	[hbm4b:s8+s2] =	stream.indirect_vreg.scatter [tilespmem:s21], [sflag:$0x2], $0x80, v33, vm3, $0xb8;
	[tilespmem:$0x14000] =	vst v63  }
0x209: {  	v23 =	vadd.s32 v9, v23;
	s22 =	sadd.s32 $0xCE80, s17  }
0x20a: {  	[hbm4b:s8+s2] =	stream.indirect_vreg.scatter [tilespmem:s22], [sflag:$0x2], $0x80, v35, vm3, $0xb8;
	[tilespmem:$0x14000] =	vst v63  }
0x20b: {  	s23 =	sadd.s32 $0xCF00, s17  }
0x20c: {  	[hbm4b:s8+s2] =	stream.indirect_vreg.scatter [tilespmem:s23], [sflag:$0x2], $0x80, v37, vm3, $0xb8;
	[tilespmem:$0x14000] =	vst v63  }
0x20d: {  	s24 =	sadd.s32 $0xCF80, s17  }
0x20e: {  	[hbm4b:s8+s2] =	stream.indirect_vreg.scatter [tilespmem:s24], [sflag:$0x2], $0x80, v23, vm3, $0xb8;
	[tilespmem:$0x14000] =	vst v63  }
0x20f: {  	v23 =	vld.idx.msk [tilespmem:v22+s18+$0x20 ss:$0x1], $0xffff;
	_ =	sdelay $0x4  }
0x210: {  	v38 =	vshll.u32 v23, $0x1  }
0x211: {  	v23 =	vand.u32 $0x7, v23;
	v24 =	vand.u32 $0xFFFFFFF0, v38  }
0x212: {  	v23 =	vor.u32 v23, v24  }
0x213: {  	v24 =	vperm.xlane v23, v8;
	_ =	sdelay $0x1  }
0x214: {  	v39 =	vperm.xlane v23, v7;
	v24 =	vadd.s32 v9, v24;
	_ =	sdelay $0x1  }
0x215: {  	v40 =	vperm.xlane v23, v10;
	v25 =	vadd.s32 v9, v39;
	_ =	sdelay $0x1  }
0x216: {  	s25 =	sadd.s32 $0xD000, s17;
	v41 =	vperm.xlane v23, v11;
	v26 =	vadd.s32 v9, v40  }
0x217: {  	[hbm4b:s8+s2] =	stream.indirect_vreg.scatter [tilespmem:s25], [sflag:$0x2], $0x80, v24, vm3, $0xb8;
	[tilespmem:$0x14000] =	vst v63  }
0x218: {  	s26 =	sadd.s32 $0xD080, s17;
	v43 =	vperm.xlane v23, v12;
	v42 =	vadd.s32 v9, v41  }
0x219: {  	[hbm4b:s8+s2] =	stream.indirect_vreg.scatter [tilespmem:s26], [sflag:$0x2], $0x80, v25, vm3, $0xb8;
	[tilespmem:$0x14000] =	vst v63  }
0x21a: {  	s28 =	sadd.s32 $0xD100, s17;
	v45 =	vperm.xlane v23, v13;
	v44 =	vadd.s32 v9, v43  }
0x21b: {  	[hbm4b:s8+s2] =	stream.indirect_vreg.scatter [tilespmem:s28], [sflag:$0x2], $0x80, v26, vm3, $0xb8;
	[tilespmem:$0x14000] =	vst v63  }
0x21c: {  	s29 =	sadd.s32 $0xD180, s17;
	v47 =	vperm.xlane v23, v14;
	v46 =	vadd.s32 v9, v45  }
0x21d: {  	[hbm4b:s8+s2] =	stream.indirect_vreg.scatter [tilespmem:s29], [sflag:$0x2], $0x80, v42, vm3, $0xb8;
	[tilespmem:$0x14000] =	vst v63  }
0x21e: {  	s30 =	sadd.s32 $0xD200, s17;
	v49 =	vperm.xlane v23, v6;
	v48 =	vadd.s32 v9, v47  }
0x21f: {  	[hbm4b:s8+s2] =	stream.indirect_vreg.scatter [tilespmem:s30], [sflag:$0x2], $0x80, v44, vm3, $0xb8;
	[tilespmem:$0x14000] =	vst v63  }
0x220: {  	s31 =	sadd.s32 $0xD280, s17;
	v51 =	vperm.xlane v23, v15;
	v50 =	vadd.s32 v9, v49  }
0x221: {  	[hbm4b:s8+s2] =	stream.indirect_vreg.scatter [tilespmem:s31], [sflag:$0x2], $0x80, v46, vm3, $0xb8;
	[tilespmem:$0x14000] =	vst v63  }
0x222: {  	s20 =	sadd.s32 $0xD300, s17;
	v53 =	vperm.xlane v23, v16;
	v52 =	vadd.s32 v9, v51  }
0x223: {  	[hbm4b:s8+s2] =	stream.indirect_vreg.scatter [tilespmem:s20], [sflag:$0x2], $0x80, v48, vm3, $0xb8;
	[tilespmem:$0x14000] =	vst v63  }
0x224: {  	s21 =	sadd.s32 $0xD380, s17;
	v55 =	vperm.xlane v23, v17;
	v54 =	vadd.s32 v9, v53  }
0x225: {  	[hbm4b:s8+s2] =	stream.indirect_vreg.scatter [tilespmem:s21], [sflag:$0x2], $0x80, v50, vm3, $0xb8;
	[tilespmem:$0x14000] =	vst v63  }
0x226: {  	s22 =	sadd.s32 $0xD400, s17;
	v57 =	vperm.xlane v23, v18;
	v56 =	vadd.s32 v9, v55  }
0x227: {  	[hbm4b:s8+s2] =	stream.indirect_vreg.scatter [tilespmem:s22], [sflag:$0x2], $0x80, v52, vm3, $0xb8;
	[tilespmem:$0x14000] =	vst v63  }
0x228: {  	s23 =	sadd.s32 $0xD480, s17;
	v59 =	vperm.xlane v23, v19;
	v58 =	vadd.s32 v9, v57  }
0x229: {  	[hbm4b:s8+s2] =	stream.indirect_vreg.scatter [tilespmem:s23], [sflag:$0x2], $0x80, v54, vm3, $0xb8;
	[tilespmem:$0x14000] =	vst v63  }
0x22a: {  	s24 =	sadd.s32 $0xD500, s17;
	v61 =	vperm.xlane v23, v20;
	v60 =	vadd.s32 v9, v59  }
0x22b: {  	[hbm4b:s8+s2] =	stream.indirect_vreg.scatter [tilespmem:s24], [sflag:$0x2], $0x80, v56, vm3, $0xb8;
	[tilespmem:$0x14000] =	vst v63  }
0x22c: {  	v63 =	vperm.xlane v23, v21;
	v62 =	vadd.s32 v9, v61;
	s25 =	sadd.s32 $0xD580, s17  }
0x22d: {  	[hbm4b:s8+s2] =	stream.indirect_vreg.scatter [tilespmem:s25], [sflag:$0x2], $0x80, v58, vm3, $0xb8;
	[tilespmem:$0x14000] =	vst v63  }
0x22e: {  	v23 =	vperm.xlane v23, v5;
	v30 =	vadd.s32 v9, v63;
	s26 =	sadd.s32 $0xD600, s17  }
0x22f: {  	[hbm4b:s8+s2] =	stream.indirect_vreg.scatter [tilespmem:s26], [sflag:$0x2], $0x80, v60, vm3, $0xb8;
	[tilespmem:$0x14000] =	vst v63  }
0x230: {  	v23 =	vadd.s32 v9, v23;
	s28 =	sadd.s32 $0xD680, s17  }
0x231: {  	[hbm4b:s8+s2] =	stream.indirect_vreg.scatter [tilespmem:s28], [sflag:$0x2], $0x80, v62, vm3, $0xb8;
	[tilespmem:$0x14000] =	vst v63  }
0x232: {  	s29 =	sadd.s32 $0xD700, s17  }
0x233: {  	[hbm4b:s8+s2] =	stream.indirect_vreg.scatter [tilespmem:s29], [sflag:$0x2], $0x80, v30, vm3, $0xb8;
	[tilespmem:$0x14000] =	vst v63  }
0x234: {  	s30 =	sadd.s32 $0xD780, s17  }
0x235: {  	[hbm4b:s8+s2] =	stream.indirect_vreg.scatter [tilespmem:s30], [sflag:$0x2], $0x80, v23, vm3, $0xb8;
	[tilespmem:$0x14000] =	vst v63  }
0x236: {  	v23 =	vld.idx.msk [tilespmem:v22+s18+$0x30 ss:$0x1], $0xffff;
	_ =	sdelay $0x4  }
0x237: {  	v31 =	vshll.u32 v23, $0x1  }
0x238: {  	v23 =	vand.u32 $0x7, v23;
	v24 =	vand.u32 $0xFFFFFFF0, v31  }
0x239: {  	v23 =	vor.u32 v23, v24  }
0x23a: {  	v24 =	vperm.xlane v23, v8;
	_ =	sdelay $0x1  }
0x23b: {  	v32 =	vperm.xlane v23, v7;
	v24 =	vadd.s32 v9, v24;
	_ =	sdelay $0x1  }
0x23c: {  	v33 =	vperm.xlane v23, v10;
	v25 =	vadd.s32 v9, v32;
	_ =	sdelay $0x1  }
0x23d: {  	s31 =	sadd.s32 $0xD800, s17;
	v34 =	vperm.xlane v23, v11;
	v26 =	vadd.s32 v9, v33  }
0x23e: {  	[hbm4b:s8+s2] =	stream.indirect_vreg.scatter [tilespmem:s31], [sflag:$0x2], $0x80, v24, vm3, $0xb8;
	[tilespmem:$0x14000] =	vst v63  }
0x23f: {  	s20 =	sadd.s32 $0xD880, s17;
	v36 =	vperm.xlane v23, v12;
	v35 =	vadd.s32 v9, v34  }
0x240: {  	[hbm4b:s8+s2] =	stream.indirect_vreg.scatter [tilespmem:s20], [sflag:$0x2], $0x80, v25, vm3, $0xb8;
	[tilespmem:$0x14000] =	vst v63  }
0x241: {  	s21 =	sadd.s32 $0xD900, s17;
	v38 =	vperm.xlane v23, v13;
	v37 =	vadd.s32 v9, v36  }
0x242: {  	[hbm4b:s8+s2] =	stream.indirect_vreg.scatter [tilespmem:s21], [sflag:$0x2], $0x80, v26, vm3, $0xb8;
	[tilespmem:$0x14000] =	vst v63  }
0x243: {  	s22 =	sadd.s32 $0xD980, s17;
	v40 =	vperm.xlane v23, v14;
	v39 =	vadd.s32 v9, v38  }
0x244: {  	[hbm4b:s8+s2] =	stream.indirect_vreg.scatter [tilespmem:s22], [sflag:$0x2], $0x80, v35, vm3, $0xb8;
	[tilespmem:$0x14000] =	vst v63  }
0x245: {  	s23 =	sadd.s32 $0xDA00, s17;
	v42 =	vperm.xlane v23, v6;
	v41 =	vadd.s32 v9, v40  }
0x246: {  	[hbm4b:s8+s2] =	stream.indirect_vreg.scatter [tilespmem:s23], [sflag:$0x2], $0x80, v37, vm3, $0xb8;
	[tilespmem:$0x14000] =	vst v63  }
0x247: {  	s24 =	sadd.s32 $0xDA80, s17;
	v44 =	vperm.xlane v23, v15;
	v43 =	vadd.s32 v9, v42  }
0x248: {  	[hbm4b:s8+s2] =	stream.indirect_vreg.scatter [tilespmem:s24], [sflag:$0x2], $0x80, v39, vm3, $0xb8;
	[tilespmem:$0x14000] =	vst v63  }
0x249: {  	s25 =	sadd.s32 $0xDB00, s17;
	v46 =	vperm.xlane v23, v16;
	v45 =	vadd.s32 v9, v44  }
0x24a: {  	[hbm4b:s8+s2] =	stream.indirect_vreg.scatter [tilespmem:s25], [sflag:$0x2], $0x80, v41, vm3, $0xb8;
	[tilespmem:$0x14000] =	vst v63  }
0x24b: {  	s26 =	sadd.s32 $0xDB80, s17;
	v48 =	vperm.xlane v23, v17;
	v47 =	vadd.s32 v9, v46  }
0x24c: {  	[hbm4b:s8+s2] =	stream.indirect_vreg.scatter [tilespmem:s26], [sflag:$0x2], $0x80, v43, vm3, $0xb8;
	[tilespmem:$0x14000] =	vst v63  }
0x24d: {  	s28 =	sadd.s32 $0xDC00, s17;
	v50 =	vperm.xlane v23, v18;
	v49 =	vadd.s32 v9, v48  }
0x24e: {  	[hbm4b:s8+s2] =	stream.indirect_vreg.scatter [tilespmem:s28], [sflag:$0x2], $0x80, v45, vm3, $0xb8;
	[tilespmem:$0x14000] =	vst v63  }
0x24f: {  	s29 =	sadd.s32 $0xDC80, s17;
	v52 =	vperm.xlane v23, v19;
	v51 =	vadd.s32 v9, v50  }
0x250: {  	[hbm4b:s8+s2] =	stream.indirect_vreg.scatter [tilespmem:s29], [sflag:$0x2], $0x80, v47, vm3, $0xb8;
	[tilespmem:$0x14000] =	vst v63  }
0x251: {  	s30 =	sadd.s32 $0xDD00, s17;
	v54 =	vperm.xlane v23, v20;
	v53 =	vadd.s32 v9, v52  }
0x252: {  	[hbm4b:s8+s2] =	stream.indirect_vreg.scatter [tilespmem:s30], [sflag:$0x2], $0x80, v49, vm3, $0xb8;
	[tilespmem:$0x14000] =	vst v63  }
0x253: {  	v56 =	vperm.xlane v23, v21;
	v55 =	vadd.s32 v9, v54;
	s31 =	sadd.s32 $0xDD80, s17  }
0x254: {  	[hbm4b:s8+s2] =	stream.indirect_vreg.scatter [tilespmem:s31], [sflag:$0x2], $0x80, v51, vm3, $0xb8;
	[tilespmem:$0x14000] =	vst v63  }
0x255: {  	v23 =	vperm.xlane v23, v5;
	v57 =	vadd.s32 v9, v56;
	s20 =	sadd.s32 $0xDE00, s17  }
0x256: {  	[hbm4b:s8+s2] =	stream.indirect_vreg.scatter [tilespmem:s20], [sflag:$0x2], $0x80, v53, vm3, $0xb8;
	[tilespmem:$0x14000] =	vst v63  }
0x257: {  	v23 =	vadd.s32 v9, v23;
	s21 =	sadd.s32 $0xDE80, s17  }
0x258: {  	[hbm4b:s8+s2] =	stream.indirect_vreg.scatter [tilespmem:s21], [sflag:$0x2], $0x80, v55, vm3, $0xb8;
	[tilespmem:$0x14000] =	vst v63  }
0x259: {  	s22 =	sadd.s32 $0xDF00, s17  }
0x25a: {  	[hbm4b:s8+s2] =	stream.indirect_vreg.scatter [tilespmem:s22], [sflag:$0x2], $0x80, v57, vm3, $0xb8;
	[tilespmem:$0x14000] =	vst v63  }
0x25b: {  	s23 =	sadd.s32 $0xDF80, s17  }
0x25c: {  	[hbm4b:s8+s2] =	stream.indirect_vreg.scatter [tilespmem:s23], [sflag:$0x2], $0x80, v23, vm3, $0xb8;
	[tilespmem:$0x14000] =	vst v63  }
0x25d: {  	v23 =	vld.idx.msk [tilespmem:v22+s18+$0x40 ss:$0x1], $0xffff;
	_ =	sdelay $0x4  }
0x25e: {  	v58 =	vshll.u32 v23, $0x1  }
0x25f: {  	v23 =	vand.u32 $0x7, v23;
	v24 =	vand.u32 $0xFFFFFFF0, v58  }
0x260: {  	v23 =	vor.u32 v23, v24  }
0x261: {  	v24 =	vperm.xlane v23, v8;
	_ =	sdelay $0x1  }
0x262: {  	v59 =	vperm.xlane v23, v7;
	v24 =	vadd.s32 v9, v24;
	_ =	sdelay $0x1  }
0x263: {  	v60 =	vperm.xlane v23, v10;
	v25 =	vadd.s32 v9, v59;
	_ =	sdelay $0x1  }
0x264: {  	s24 =	sadd.s32 $0xE000, s17;
	v61 =	vperm.xlane v23, v11;
	v26 =	vadd.s32 v9, v60  }
0x265: {  	[hbm4b:s8+s2] =	stream.indirect_vreg.scatter [tilespmem:s24], [sflag:$0x2], $0x80, v24, vm3, $0xb8;
	[tilespmem:$0x14000] =	vst v63  }
0x266: {  	s25 =	sadd.s32 $0xE080, s17;
	v63 =	vperm.xlane v23, v12;
	v62 =	vadd.s32 v9, v61  }
0x267: {  	[hbm4b:s8+s2] =	stream.indirect_vreg.scatter [tilespmem:s25], [sflag:$0x2], $0x80, v25, vm3, $0xb8;
	[tilespmem:$0x14000] =	vst v63  }
0x268: {  	s26 =	sadd.s32 $0xE100, s17;
	v31 =	vperm.xlane v23, v13;
	v30 =	vadd.s32 v9, v63  }
0x269: {  	[hbm4b:s8+s2] =	stream.indirect_vreg.scatter [tilespmem:s26], [sflag:$0x2], $0x80, v26, vm3, $0xb8;
	[tilespmem:$0x14000] =	vst v63  }
0x26a: {  	s28 =	sadd.s32 $0xE180, s17;
	v33 =	vperm.xlane v23, v14;
	v32 =	vadd.s32 v9, v31  }
0x26b: {  	[hbm4b:s8+s2] =	stream.indirect_vreg.scatter [tilespmem:s28], [sflag:$0x2], $0x80, v62, vm3, $0xb8;
	[tilespmem:$0x14000] =	vst v63  }
0x26c: {  	s29 =	sadd.s32 $0xE200, s17;
	v35 =	vperm.xlane v23, v6;
	v34 =	vadd.s32 v9, v33  }
0x26d: {  	[hbm4b:s8+s2] =	stream.indirect_vreg.scatter [tilespmem:s29], [sflag:$0x2], $0x80, v30, vm3, $0xb8;
	[tilespmem:$0x14000] =	vst v63  }
0x26e: {  	s30 =	sadd.s32 $0xE280, s17;
	v37 =	vperm.xlane v23, v15;
	v36 =	vadd.s32 v9, v35  }
0x26f: {  	[hbm4b:s8+s2] =	stream.indirect_vreg.scatter [tilespmem:s30], [sflag:$0x2], $0x80, v32, vm3, $0xb8;
	[tilespmem:$0x14000] =	vst v63  }
0x270: {  	s31 =	sadd.s32 $0xE300, s17;
	v39 =	vperm.xlane v23, v16;
	v38 =	vadd.s32 v9, v37  }
0x271: {  	[hbm4b:s8+s2] =	stream.indirect_vreg.scatter [tilespmem:s31], [sflag:$0x2], $0x80, v34, vm3, $0xb8;
	[tilespmem:$0x14000] =	vst v63  }
0x272: {  	s20 =	sadd.s32 $0xE380, s17;
	v41 =	vperm.xlane v23, v17;
	v40 =	vadd.s32 v9, v39  }
0x273: {  	[hbm4b:s8+s2] =	stream.indirect_vreg.scatter [tilespmem:s20], [sflag:$0x2], $0x80, v36, vm3, $0xb8;
	[tilespmem:$0x14000] =	vst v63  }
0x274: {  	s21 =	sadd.s32 $0xE400, s17;
	v43 =	vperm.xlane v23, v18;
	v42 =	vadd.s32 v9, v41  }
0x275: {  	[hbm4b:s8+s2] =	stream.indirect_vreg.scatter [tilespmem:s21], [sflag:$0x2], $0x80, v38, vm3, $0xb8;
	[tilespmem:$0x14000] =	vst v63  }
0x276: {  	s22 =	sadd.s32 $0xE480, s17;
	v45 =	vperm.xlane v23, v19;
	v44 =	vadd.s32 v9, v43  }
0x277: {  	[hbm4b:s8+s2] =	stream.indirect_vreg.scatter [tilespmem:s22], [sflag:$0x2], $0x80, v40, vm3, $0xb8;
	[tilespmem:$0x14000] =	vst v63  }
0x278: {  	s23 =	sadd.s32 $0xE500, s17;
	v47 =	vperm.xlane v23, v20;
	v46 =	vadd.s32 v9, v45  }
0x279: {  	[hbm4b:s8+s2] =	stream.indirect_vreg.scatter [tilespmem:s23], [sflag:$0x2], $0x80, v42, vm3, $0xb8;
	[tilespmem:$0x14000] =	vst v63  }
0x27a: {  	v49 =	vperm.xlane v23, v21;
	v48 =	vadd.s32 v9, v47;
	s24 =	sadd.s32 $0xE580, s17  }
0x27b: {  	[hbm4b:s8+s2] =	stream.indirect_vreg.scatter [tilespmem:s24], [sflag:$0x2], $0x80, v44, vm3, $0xb8;
	[tilespmem:$0x14000] =	vst v63  }
0x27c: {  	v23 =	vperm.xlane v23, v5;
	v50 =	vadd.s32 v9, v49;
	s25 =	sadd.s32 $0xE600, s17  }
0x27d: {  	[hbm4b:s8+s2] =	stream.indirect_vreg.scatter [tilespmem:s25], [sflag:$0x2], $0x80, v46, vm3, $0xb8;
	[tilespmem:$0x14000] =	vst v63  }
0x27e: {  	v23 =	vadd.s32 v9, v23;
	s26 =	sadd.s32 $0xE680, s17  }
0x27f: {  	[hbm4b:s8+s2] =	stream.indirect_vreg.scatter [tilespmem:s26], [sflag:$0x2], $0x80, v48, vm3, $0xb8;
	[tilespmem:$0x14000] =	vst v63  }
0x280: {  	s28 =	sadd.s32 $0xE700, s17  }
0x281: {  	[hbm4b:s8+s2] =	stream.indirect_vreg.scatter [tilespmem:s28], [sflag:$0x2], $0x80, v50, vm3, $0xb8;
	[tilespmem:$0x14000] =	vst v63  }
0x282: {  	s29 =	sadd.s32 $0xE780, s17  }
0x283: {  	[hbm4b:s8+s2] =	stream.indirect_vreg.scatter [tilespmem:s29], [sflag:$0x2], $0x80, v23, vm3, $0xb8;
	[tilespmem:$0x14000] =	vst v63  }
0x284: {  	v23 =	vld.idx.msk [tilespmem:v22+s18+$0x50 ss:$0x1], $0xffff;
	_ =	sdelay $0x4  }
0x285: {  	v51 =	vshll.u32 v23, $0x1  }
0x286: {  	v23 =	vand.u32 $0x7, v23;
	v24 =	vand.u32 $0xFFFFFFF0, v51  }
0x287: {  	v23 =	vor.u32 v23, v24  }
0x288: {  	v24 =	vperm.xlane v23, v8;
	_ =	sdelay $0x1  }
0x289: {  	v52 =	vperm.xlane v23, v7;
	v24 =	vadd.s32 v9, v24;
	_ =	sdelay $0x1  }
0x28a: {  	v53 =	vperm.xlane v23, v10;
	v25 =	vadd.s32 v9, v52;
	_ =	sdelay $0x1  }
0x28b: {  	s30 =	sadd.s32 $0xE800, s17;
	v54 =	vperm.xlane v23, v11;
	v26 =	vadd.s32 v9, v53  }
0x28c: {  	[hbm4b:s8+s2] =	stream.indirect_vreg.scatter [tilespmem:s30], [sflag:$0x2], $0x80, v24, vm3, $0xb8;
	[tilespmem:$0x14000] =	vst v63  }
0x28d: {  	s31 =	sadd.s32 $0xE880, s17;
	v56 =	vperm.xlane v23, v12;
	v55 =	vadd.s32 v9, v54  }
0x28e: {  	[hbm4b:s8+s2] =	stream.indirect_vreg.scatter [tilespmem:s31], [sflag:$0x2], $0x80, v25, vm3, $0xb8;
	[tilespmem:$0x14000] =	vst v63  }
0x28f: {  	s20 =	sadd.s32 $0xE900, s17;
	v58 =	vperm.xlane v23, v13;
	v57 =	vadd.s32 v9, v56  }
0x290: {  	[hbm4b:s8+s2] =	stream.indirect_vreg.scatter [tilespmem:s20], [sflag:$0x2], $0x80, v26, vm3, $0xb8;
	[tilespmem:$0x14000] =	vst v63  }
0x291: {  	s21 =	sadd.s32 $0xE980, s17;
	v60 =	vperm.xlane v23, v14;
	v59 =	vadd.s32 v9, v58  }
0x292: {  	[hbm4b:s8+s2] =	stream.indirect_vreg.scatter [tilespmem:s21], [sflag:$0x2], $0x80, v55, vm3, $0xb8;
	[tilespmem:$0x14000] =	vst v63  }
0x293: {  	s22 =	sadd.s32 $0xEA00, s17;
	v62 =	vperm.xlane v23, v6;
	v61 =	vadd.s32 v9, v60  }
0x294: {  	[hbm4b:s8+s2] =	stream.indirect_vreg.scatter [tilespmem:s22], [sflag:$0x2], $0x80, v57, vm3, $0xb8;
	[tilespmem:$0x14000] =	vst v63  }
0x295: {  	s23 =	sadd.s32 $0xEA80, s17;
	v30 =	vperm.xlane v23, v15;
	v63 =	vadd.s32 v9, v62  }
0x296: {  	[hbm4b:s8+s2] =	stream.indirect_vreg.scatter [tilespmem:s23], [sflag:$0x2], $0x80, v59, vm3, $0xb8;
	[tilespmem:$0x14000] =	vst v63  }
0x297: {  	s24 =	sadd.s32 $0xEB00, s17;
	v32 =	vperm.xlane v23, v16;
	v31 =	vadd.s32 v9, v30  }
0x298: {  	[hbm4b:s8+s2] =	stream.indirect_vreg.scatter [tilespmem:s24], [sflag:$0x2], $0x80, v61, vm3, $0xb8;
	[tilespmem:$0x14000] =	vst v63  }
0x299: {  	s25 =	sadd.s32 $0xEB80, s17;
	v34 =	vperm.xlane v23, v17;
	v33 =	vadd.s32 v9, v32  }
0x29a: {  	[hbm4b:s8+s2] =	stream.indirect_vreg.scatter [tilespmem:s25], [sflag:$0x2], $0x80, v63, vm3, $0xb8;
	[tilespmem:$0x14000] =	vst v63  }
0x29b: {  	s26 =	sadd.s32 $0xEC00, s17;
	v36 =	vperm.xlane v23, v18;
	v35 =	vadd.s32 v9, v34  }
0x29c: {  	[hbm4b:s8+s2] =	stream.indirect_vreg.scatter [tilespmem:s26], [sflag:$0x2], $0x80, v31, vm3, $0xb8;
	[tilespmem:$0x14000] =	vst v63  }
0x29d: {  	s28 =	sadd.s32 $0xEC80, s17;
	v38 =	vperm.xlane v23, v19;
	v37 =	vadd.s32 v9, v36  }
0x29e: {  	[hbm4b:s8+s2] =	stream.indirect_vreg.scatter [tilespmem:s28], [sflag:$0x2], $0x80, v33, vm3, $0xb8;
	[tilespmem:$0x14000] =	vst v63  }
0x29f: {  	s29 =	sadd.s32 $0xED00, s17;
	v40 =	vperm.xlane v23, v20;
	v39 =	vadd.s32 v9, v38  }
0x2a0: {  	[hbm4b:s8+s2] =	stream.indirect_vreg.scatter [tilespmem:s29], [sflag:$0x2], $0x80, v35, vm3, $0xb8;
	[tilespmem:$0x14000] =	vst v63  }
0x2a1: {  	v42 =	vperm.xlane v23, v21;
	v41 =	vadd.s32 v9, v40;
	s30 =	sadd.s32 $0xED80, s17  }
0x2a2: {  	[hbm4b:s8+s2] =	stream.indirect_vreg.scatter [tilespmem:s30], [sflag:$0x2], $0x80, v37, vm3, $0xb8;
	[tilespmem:$0x14000] =	vst v63  }
0x2a3: {  	v23 =	vperm.xlane v23, v5;
	v43 =	vadd.s32 v9, v42;
	s31 =	sadd.s32 $0xEE00, s17  }
0x2a4: {  	[hbm4b:s8+s2] =	stream.indirect_vreg.scatter [tilespmem:s31], [sflag:$0x2], $0x80, v39, vm3, $0xb8;
	[tilespmem:$0x14000] =	vst v63  }
0x2a5: {  	v23 =	vadd.s32 v9, v23;
	s20 =	sadd.s32 $0xEE80, s17  }
0x2a6: {  	[hbm4b:s8+s2] =	stream.indirect_vreg.scatter [tilespmem:s20], [sflag:$0x2], $0x80, v41, vm3, $0xb8;
	[tilespmem:$0x14000] =	vst v63  }
0x2a7: {  	s21 =	sadd.s32 $0xEF00, s17  }
0x2a8: {  	[hbm4b:s8+s2] =	stream.indirect_vreg.scatter [tilespmem:s21], [sflag:$0x2], $0x80, v43, vm3, $0xb8;
	[tilespmem:$0x14000] =	vst v63  }
0x2a9: {  	s22 =	sadd.s32 $0xEF80, s17  }
0x2aa: {  	[hbm4b:s8+s2] =	stream.indirect_vreg.scatter [tilespmem:s22], [sflag:$0x2], $0x80, v23, vm3, $0xb8;
	[tilespmem:$0x14000] =	vst v63  }
0x2ab: {  	v23 =	vld.idx.msk [tilespmem:v22+s18+$0x60 ss:$0x1], $0xffff;
	_ =	sdelay $0x4  }
0x2ac: {  	v44 =	vshll.u32 v23, $0x1  }
0x2ad: {  	v23 =	vand.u32 $0x7, v23;
	v24 =	vand.u32 $0xFFFFFFF0, v44  }
0x2ae: {  	v23 =	vor.u32 v23, v24  }
0x2af: {  	v24 =	vperm.xlane v23, v8;
	_ =	sdelay $0x1  }
0x2b0: {  	v45 =	vperm.xlane v23, v7;
	v24 =	vadd.s32 v9, v24;
	_ =	sdelay $0x1  }
0x2b1: {  	v46 =	vperm.xlane v23, v10;
	v25 =	vadd.s32 v9, v45;
	_ =	sdelay $0x1  }
0x2b2: {  	s23 =	sadd.s32 $0xF000, s17;
	v47 =	vperm.xlane v23, v11;
	v26 =	vadd.s32 v9, v46  }
0x2b3: {  	[hbm4b:s8+s2] =	stream.indirect_vreg.scatter [tilespmem:s23], [sflag:$0x2], $0x80, v24, vm3, $0xb8;
	[tilespmem:$0x14000] =	vst v63  }
0x2b4: {  	s24 =	sadd.s32 $0xF080, s17;
	v49 =	vperm.xlane v23, v12;
	v48 =	vadd.s32 v9, v47  }
0x2b5: {  	[hbm4b:s8+s2] =	stream.indirect_vreg.scatter [tilespmem:s24], [sflag:$0x2], $0x80, v25, vm3, $0xb8;
	[tilespmem:$0x14000] =	vst v63  }
0x2b6: {  	s25 =	sadd.s32 $0xF100, s17;
	v51 =	vperm.xlane v23, v13;
	v50 =	vadd.s32 v9, v49  }
0x2b7: {  	[hbm4b:s8+s2] =	stream.indirect_vreg.scatter [tilespmem:s25], [sflag:$0x2], $0x80, v26, vm3, $0xb8;
	[tilespmem:$0x14000] =	vst v63  }
0x2b8: {  	s26 =	sadd.s32 $0xF180, s17;
	v53 =	vperm.xlane v23, v14;
	v52 =	vadd.s32 v9, v51  }
0x2b9: {  	[hbm4b:s8+s2] =	stream.indirect_vreg.scatter [tilespmem:s26], [sflag:$0x2], $0x80, v48, vm3, $0xb8;
	[tilespmem:$0x14000] =	vst v63  }
0x2ba: {  	s28 =	sadd.s32 $0xF200, s17;
	v55 =	vperm.xlane v23, v6;
	v54 =	vadd.s32 v9, v53  }
0x2bb: {  	[hbm4b:s8+s2] =	stream.indirect_vreg.scatter [tilespmem:s28], [sflag:$0x2], $0x80, v50, vm3, $0xb8;
	[tilespmem:$0x14000] =	vst v63  }
0x2bc: {  	s29 =	sadd.s32 $0xF280, s17;
	v57 =	vperm.xlane v23, v15;
	v56 =	vadd.s32 v9, v55  }
0x2bd: {  	[hbm4b:s8+s2] =	stream.indirect_vreg.scatter [tilespmem:s29], [sflag:$0x2], $0x80, v52, vm3, $0xb8;
	[tilespmem:$0x14000] =	vst v63  }
0x2be: {  	s30 =	sadd.s32 $0xF300, s17;
	v59 =	vperm.xlane v23, v16;
	v58 =	vadd.s32 v9, v57  }
0x2bf: {  	[hbm4b:s8+s2] =	stream.indirect_vreg.scatter [tilespmem:s30], [sflag:$0x2], $0x80, v54, vm3, $0xb8;
	[tilespmem:$0x14000] =	vst v63  }
0x2c0: {  	s31 =	sadd.s32 $0xF380, s17;
	v61 =	vperm.xlane v23, v17;
	v60 =	vadd.s32 v9, v59  }
0x2c1: {  	[hbm4b:s8+s2] =	stream.indirect_vreg.scatter [tilespmem:s31], [sflag:$0x2], $0x80, v56, vm3, $0xb8;
	[tilespmem:$0x14000] =	vst v63  }
0x2c2: {  	s20 =	sadd.s32 $0xF400, s17;
	v63 =	vperm.xlane v23, v18;
	v62 =	vadd.s32 v9, v61  }
0x2c3: {  	[hbm4b:s8+s2] =	stream.indirect_vreg.scatter [tilespmem:s20], [sflag:$0x2], $0x80, v58, vm3, $0xb8;
	[tilespmem:$0x14000] =	vst v63  }
0x2c4: {  	s21 =	sadd.s32 $0xF480, s17;
	v31 =	vperm.xlane v23, v19;
	v30 =	vadd.s32 v9, v63  }
0x2c5: {  	[hbm4b:s8+s2] =	stream.indirect_vreg.scatter [tilespmem:s21], [sflag:$0x2], $0x80, v60, vm3, $0xb8;
	[tilespmem:$0x14000] =	vst v63  }
0x2c6: {  	s22 =	sadd.s32 $0xF500, s17;
	v33 =	vperm.xlane v23, v20;
	v32 =	vadd.s32 v9, v31  }
0x2c7: {  	[hbm4b:s8+s2] =	stream.indirect_vreg.scatter [tilespmem:s22], [sflag:$0x2], $0x80, v62, vm3, $0xb8;
	[tilespmem:$0x14000] =	vst v63  }
0x2c8: {  	v35 =	vperm.xlane v23, v21;
	v34 =	vadd.s32 v9, v33;
	s23 =	sadd.s32 $0xF580, s17  }
0x2c9: {  	[hbm4b:s8+s2] =	stream.indirect_vreg.scatter [tilespmem:s23], [sflag:$0x2], $0x80, v30, vm3, $0xb8;
	[tilespmem:$0x14000] =	vst v63  }
0x2ca: {  	v23 =	vperm.xlane v23, v5;
	v36 =	vadd.s32 v9, v35;
	s24 =	sadd.s32 $0xF600, s17  }
0x2cb: {  	[hbm4b:s8+s2] =	stream.indirect_vreg.scatter [tilespmem:s24], [sflag:$0x2], $0x80, v32, vm3, $0xb8;
	[tilespmem:$0x14000] =	vst v63  }
0x2cc: {  	v23 =	vadd.s32 v9, v23;
	s25 =	sadd.s32 $0xF680, s17  }
0x2cd: {  	[hbm4b:s8+s2] =	stream.indirect_vreg.scatter [tilespmem:s25], [sflag:$0x2], $0x80, v34, vm3, $0xb8;
	[tilespmem:$0x14000] =	vst v63  }
0x2ce: {  	s26 =	sadd.s32 $0xF700, s17  }
0x2cf: {  	[hbm4b:s8+s2] =	stream.indirect_vreg.scatter [tilespmem:s26], [sflag:$0x2], $0x80, v36, vm3, $0xb8;
	[tilespmem:$0x14000] =	vst v63  }
0x2d0: {  	s28 =	sadd.s32 $0xF780, s17  }
0x2d1: {  	[hbm4b:s8+s2] =	stream.indirect_vreg.scatter [tilespmem:s28], [sflag:$0x2], $0x80, v23, vm3, $0xb8;
	[tilespmem:$0x14000] =	vst v63  }
0x2d2: {  	v23 =	vld.idx.msk [tilespmem:v22+s18+$0x70 ss:$0x1], $0xffff;
	_ =	sdelay $0x4  }
0x2d3: {  	v37 =	vshll.u32 v23, $0x1  }
0x2d4: {  	v23 =	vand.u32 $0x7, v23;
	v24 =	vand.u32 $0xFFFFFFF0, v37  }
0x2d5: {  	v23 =	vor.u32 v23, v24  }
0x2d6: {  	v24 =	vperm.xlane v23, v8;
	_ =	sdelay $0x1  }
0x2d7: {  	v38 =	vperm.xlane v23, v7;
	v24 =	vadd.s32 v9, v24;
	_ =	sdelay $0x1  }
0x2d8: {  	v39 =	vperm.xlane v23, v10;
	v25 =	vadd.s32 v9, v38;
	_ =	sdelay $0x1  }
0x2d9: {  	s29 =	sadd.s32 $0xF800, s17;
	v40 =	vperm.xlane v23, v11;
	v26 =	vadd.s32 v9, v39  }
0x2da: {  	[hbm4b:s8+s2] =	stream.indirect_vreg.scatter [tilespmem:s29], [sflag:$0x2], $0x80, v24, vm3, $0xb8;
	[tilespmem:$0x14000] =	vst v63  }
0x2db: {  	s30 =	sadd.s32 $0xF880, s17;
	v42 =	vperm.xlane v23, v12;
	v41 =	vadd.s32 v9, v40  }
0x2dc: {  	[hbm4b:s8+s2] =	stream.indirect_vreg.scatter [tilespmem:s30], [sflag:$0x2], $0x80, v25, vm3, $0xb8;
	[tilespmem:$0x14000] =	vst v63  }
0x2dd: {  	s31 =	sadd.s32 $0xF900, s17;
	v44 =	vperm.xlane v23, v13;
	v43 =	vadd.s32 v9, v42  }
0x2de: {  	[hbm4b:s8+s2] =	stream.indirect_vreg.scatter [tilespmem:s31], [sflag:$0x2], $0x80, v26, vm3, $0xb8;
	[tilespmem:$0x14000] =	vst v63  }
0x2df: {  	s19 =	sadd.s32 $0xF980, s17;
	v46 =	vperm.xlane v23, v14;
	v45 =	vadd.s32 v9, v44  }
0x2e0: {  	[hbm4b:s8+s2] =	stream.indirect_vreg.scatter [tilespmem:s19], [sflag:$0x2], $0x80, v41, vm3, $0xb8;
	[tilespmem:$0x14000] =	vst v63  }
0x2e1: {  	s20 =	sadd.s32 $0xFA00, s17;
	v48 =	vperm.xlane v23, v6;
	v47 =	vadd.s32 v9, v46  }
0x2e2: {  	[hbm4b:s8+s2] =	stream.indirect_vreg.scatter [tilespmem:s20], [sflag:$0x2], $0x80, v43, vm3, $0xb8;
	[tilespmem:$0x14000] =	vst v63  }
0x2e3: {  	s21 =	sadd.s32 $0xFA80, s17;
	v50 =	vperm.xlane v23, v15;
	v49 =	vadd.s32 v9, v48  }
0x2e4: {  	[hbm4b:s8+s2] =	stream.indirect_vreg.scatter [tilespmem:s21], [sflag:$0x2], $0x80, v45, vm3, $0xb8;
	[tilespmem:$0x14000] =	vst v63  }
0x2e5: {  	s22 =	sadd.s32 $0xFB00, s17;
	v52 =	vperm.xlane v23, v16;
	v51 =	vadd.s32 v9, v50  }
0x2e6: {  	[hbm4b:s8+s2] =	stream.indirect_vreg.scatter [tilespmem:s22], [sflag:$0x2], $0x80, v47, vm3, $0xb8;
	[tilespmem:$0x14000] =	vst v63  }
0x2e7: {  	s23 =	sadd.s32 $0xFB80, s17;
	v54 =	vperm.xlane v23, v17;
	v53 =	vadd.s32 v9, v52  }
0x2e8: {  	[hbm4b:s8+s2] =	stream.indirect_vreg.scatter [tilespmem:s23], [sflag:$0x2], $0x80, v49, vm3, $0xb8;
	[tilespmem:$0x14000] =	vst v63  }
0x2e9: {  	s24 =	sadd.s32 $0xFC00, s17;
	v56 =	vperm.xlane v23, v18;
	v55 =	vadd.s32 v9, v54  }
0x2ea: {  	[hbm4b:s8+s2] =	stream.indirect_vreg.scatter [tilespmem:s24], [sflag:$0x2], $0x80, v51, vm3, $0xb8;
	[tilespmem:$0x14000] =	vst v63  }
0x2eb: {  	s25 =	sadd.s32 $0xFC80, s17;
	v58 =	vperm.xlane v23, v19;
	v57 =	vadd.s32 v9, v56  }
0x2ec: {  	[hbm4b:s8+s2] =	stream.indirect_vreg.scatter [tilespmem:s25], [sflag:$0x2], $0x80, v53, vm3, $0xb8;
	[tilespmem:$0x14000] =	vst v63  }
0x2ed: {  	s26 =	sadd.s32 $0xFD00, s17;
	v60 =	vperm.xlane v23, v20;
	v59 =	vadd.s32 v9, v58  }
0x2ee: {  	[hbm4b:s8+s2] =	stream.indirect_vreg.scatter [tilespmem:s26], [sflag:$0x2], $0x80, v55, vm3, $0xb8;
	[tilespmem:$0x14000] =	vst v63  }
0x2ef: {  	s28 =	sadd.s32 $0xFD80, s17;
	v61 =	vadd.s32 v9, v60  }
0x2f0: {  	v62 =	vperm.xlane v23, v21;
	[hbm4b:s8+s2] =	stream.indirect_vreg.scatter [tilespmem:s28], [sflag:$0x2], $0x80, v57, vm3, $0xb8;
	[tilespmem:$0x14000] =	vst v63  }
0x2f1: {  	s29 =	sadd.s32 $0xFE00, s17  }
0x2f2: {  	v23 =	vperm.xlane v23, v5;
	v63 =	vadd.s32 v9, v62;
	[hbm4b:s8+s2] =	stream.indirect_vreg.scatter [tilespmem:s29], [sflag:$0x2], $0x80, v59, vm3, $0xb8;
	[tilespmem:$0x14000] =	vst v63  }
0x2f3: {  	p1 =	por p0, p0;
	s30 =	sadd.s32 $0xFE80, s17  }
0x2f4: {  	v23 =	vadd.s32 v9, v23;
	[hbm4b:s8+s2] =	stream.indirect_vreg.scatter [tilespmem:s30], [sflag:$0x2], $0x80, v61, vm3, $0xb8;
	[tilespmem:$0x14000] =	vst v63  }
.Ltmp2:
0x2f5: {  	_ = 	snop;
	(pc) =	sbr.rel @p1 .LBB2_7-.Ltmp2, $4  }
0x2f6: {  	s31 =	sadd.s32 $0xFF00, s17  }
0x2f7: {  	[hbm4b:s8+s2] =	stream.indirect_vreg.scatter [tilespmem:s31], [sflag:$0x2], $0x80, v63, vm3, $0xb8;
	[tilespmem:$0x14000] =	vst v63  }
0x2f8: {  	p0 =	por $0x0, $0x0;
	s17 =	sadd.s32 $0xFF80, s17;
	s19 =	simm.s32 $0x1  }
0x2f9: {  	[hbm4b:s8+s2] =	stream.indirect_vreg.scatter [tilespmem:s17], [sflag:$0x2], $0x80, v23, vm3, $0xb8;
	[tilespmem:$0x14000] =	vst v63  }
0x2fa: {  	s16 =	sadd.s32 $0x1, s16  }
0x2fb: {  	p0 =	sne.s32 s16, $0x20  }
.Ltmp3:
0x2fc: {  	_ = 	snop;
	(pc) =	sbr.rel @p0 .LBB2_2-.Ltmp3, $1  }
0x2fd: {  	_ =	sdelay $0x3  }
0x2fe: {  	_ =	swait.ge [sflag:s13], $0x4000  }
0x2ff: {  	[sflag:s13] =	ssyncset.done $0x0  }
0x300: {  	[sflag:s13] =	ssyncadd.s32 $0xFFFFC000  }
0x301: {  	_ =	swait.ge [sflag:s14], $0x4000  }
0x302: {  	s16 =	simm.s32 $0x3F;
	[sflag:s14] =	ssyncset.done $0x0  }
.LBB2_10:
0x303: {  	p0 =	sne.s32 s16, $0x1;
	s16 =	sadd.s32 $0xFFFFFFFF, s16;
	[sflag:s14] =	ssyncadd.s32 $0xFFFFC000  }
.Ltmp4:
0x304: {  	_ =	swait.ge [sflag:s13], $0x4000;
	(pc) =	sbr.rel @p0 .LBB2_10-.Ltmp4, $4  }
0x305: {  	[sflag:s13] =	ssyncset.done $0x0  }
0x306: {  	[sflag:s13] =	ssyncadd.s32 $0xFFFFC000  }
0x307: {  	_ =	swait.ge [sflag:s14], $0x4000  }
0x308: {  	[sflag:s14] =	ssyncset.done $0x0  }
0x309: {  	s15 =	sadd.s32 $0x1, s15  }
0x30a: {  	p0 =	sne.s32 s15, s9  }
.Ltmp5:
0x30b: {  	_ = 	snop;
	(pc) =	sbr.rel @p0 .LBB2_1-.Ltmp5, $2  }
0x30c: {  	_ =	sdelay $0x2  }
0x30d: {  	[sflag:s14] =	ssyncadd.s32 $0xFFFFC000  }
0x30e: {  	_ =	sfence.sel $0x180000  }
0x30f: {  	[bflag:$0x0] =	sbarrier.arrive $0xFFFF  }
0x310: {  	p0 =	sne.s32 s3, $0x0;
	_ =	strace $0x90000047  }
0x311: {  	s0 =	sadd.s32 @!p0 $0x100000, s0;
	[bflag:$0x2] =	sbarrier.arrive $0xFFFF  }
0x312: {  	[sflag:s0] =	ssyncadd.tile.s32 @!p0 $0x1;
	_ =	shalt  }
.Lfunc_end2:
_tile_overlayer_lowered:
.L_overlay_start_2:
0x313: {  	(tag) =	ssettag $0x2  }
0x314: {  	s0 =	rddreg [dreg:$0x0];
	s2 =	stileid.u32  }
0x315: {  	s1 =	rddreg [dreg:$0x1];
	p0 =	sne.s32 s2, $0x0  }
0x316: {  	s3 =	rddreg [dreg:$0x2];
	[bflag:$0x3] =	sbarrier.arrive $0xFFFF;
	s2 =	simm.s32 @!p0 $0x1C03  }
0x317: {  	[timem:s3], [sflag:s2] =	dma.local @!p0 [hbm:s0], s1  }
0x318: {  	s0 =	simm.s32 @!p0 $0x3  }
0x319: {  	_ =	swait.ge @!p0 [sflag:s0], s1  }
0x31a: {  	s1 =	ssub.s32 @!p0 $0x0, s1;
	[sflag:s0] =	ssyncset.done @!p0 $0x0  }
0x31b: {  	[sflag:s0] =	ssyncadd.s32 @!p0 s1  }
0x31c: {  	[bflag:$0x3] =	sbarrier.arrive $0xFFFF  }
0x31d: {  	_ =	shalt  }

</sc_bundles>
